<compile_context>
chip_gen: v7x
topology: tpu7x:2x2x1
jax: 0.10.2.dev20260603
libtpu: 0.0.44.dev20260713+nightly
codegen_flags: <defaults>
</compile_context>

<pallas_src>
import math

import jax
import jax.numpy as jnp
from jax.experimental import pallas as pl
from jax.experimental.pallas import tpu as pltpu

B = 4
L = 8192
D = 1024
H = 16
DK = 64
U = 50
UP = 64
TL = 512
NL = L // TL
TLO = 2048
NLO = L // TLO
SCALE = 1.0 / math.sqrt(DK)
NEG = -1e30


def _bdot(a, b, dims):
    return jax.lax.dot_general(a.astype(jnp.bfloat16), b.astype(jnp.bfloat16),
                               dims, preferred_element_type=jnp.float32)


_MM = (((1,), (0,)), ((), ()))
_MT = (((1,), (1,)), ((), ()))


def _fused_proj_kernel(keys_ref, values_ref, queries_ref, wkt_ref, wvt_ref,
                       wqt_ref, ksh_ref, bk_ref, bv_ref, bq_ref,
                       k_ref, v_ref, vsum_ref, m_ref):
    lt = pl.program_id(1)
    k_ref[:] = _bdot(keys_ref[:], wkt_ref[:], _MM) + bk_ref[:]
    vt = _bdot(values_ref[:], wvt_ref[:], _MM) + bv_ref[:]
    v_ref[:] = vt

    @pl.when(lt == 0)
    def _():
        vsum_ref[:] = jnp.zeros_like(vsum_ref)

    vsum_ref[:] += jnp.sum(vt, axis=0, keepdims=True)

    qt = _bdot(queries_ref[:], wqt_ref[:], _MM) + bq_ref[:]
    pad = jax.lax.broadcasted_iota(jnp.int32, (1, UP), 1) >= U
    cols = []
    for h in range(H):
        sh = _bdot(qt[:, h * DK:(h + 1) * DK], ksh_ref[h], _MM)
        smh = jnp.where(pad, NEG, sh)
        mh = (jnp.max(smh, axis=1, keepdims=True)
              - jnp.sum(sh, axis=1, keepdims=True) / float(U))
        cols.append(mh)
    m_ref[:] = jnp.concatenate(cols, axis=1)


def _topk_kernel(m_ref, idx_ref):
    col = jax.lax.broadcasted_iota(jnp.int32, (H, L), 1)
    jcol = jax.lax.broadcasted_iota(jnp.int32, (H, 128), 1)

    def body(j, carry):
        m, acc = carry
        mx = jnp.max(m, axis=1, keepdims=True)
        am = jnp.min(jnp.where(m >= mx, col, L), axis=1, keepdims=True)
        acc = jnp.where(jcol == j, am, acc)
        m = jnp.where(col == am, NEG, m)
        return m, acc

    acc0 = jnp.zeros((H, 128), jnp.int32)
    _, acc = jax.lax.fori_loop(0, U, body, (m_ref[:], acc0))
    idx_ref[:] = acc


def _attn_kernel(qs_ref, k_ref, v_ref, attn_ref, upd_ref):
    s = _bdot(qs_ref[:], k_ref[:], _MT) * SCALE
    mx = jnp.max(s, axis=1, keepdims=True)
    e = jnp.exp(s - mx)
    a = e / jnp.sum(e, axis=1, keepdims=True)
    attn_ref[0] = a[:U, :]
    attn_ref[1] = a[UP:UP + U, :]
    u = _bdot(a, v_ref[:], _MM)
    upd_ref[0] = u[:UP, :DK]
    upd_ref[1] = u[UP:, DK:]


def _output_kernel(idxs_ref, perm_ref, starts_ref, base_ref, delta_ref,
                   out_ref):
    b = pl.program_id(0)
    t = pl.program_id(1)
    out_ref[:] = jnp.broadcast_to(base_ref[:], (TLO, D))
    s = starts_ref[b * (NLO + 1) + t]
    e = starts_ref[b * (NLO + 1) + t + 1]

    def body(i, carry):
        r = idxs_ref[b * (H * U) + i] - t * TLO
        p = perm_ref[b * (H * U) + i]
        out_ref[pl.ds(r, 1), :] += delta_ref[pl.ds(p, 1), :]
        return carry

    jax.lax.fori_loop(s, e, body, 0)


@jax.jit
def kernel(queries, keys, values, Wq, bq, Wk, bk, Wv, bv, Wo, bo):
    f32 = jnp.float32
    sample_idx = jax.random.randint(jax.random.key(42), (U,), 0, L)

    ksamp = keys[:, sample_idx, :] @ Wk.T + bk
    ksp = jnp.zeros((B, UP, H, DK), f32).at[:, :U].set(
        ksamp.reshape(B, U, H, DK))
    ksh = ksp.transpose(0, 2, 3, 1)

    k_arr, v_arr, vsum, m_arr = pl.pallas_call(
        _fused_proj_kernel,
        grid=(B, NL),
        in_specs=[
            pl.BlockSpec((None, TL, D), lambda b, lt: (b, lt, 0)),
            pl.BlockSpec((None, TL, D), lambda b, lt: (b, lt, 0)),
            pl.BlockSpec((None, TL, D), lambda b, lt: (b, lt, 0)),
            pl.BlockSpec((D, D), lambda b, lt: (0, 0)),
            pl.BlockSpec((D, D), lambda b, lt: (0, 0)),
            pl.BlockSpec((D, D), lambda b, lt: (0, 0)),
            pl.BlockSpec((None, H, DK, UP), lambda b, lt: (b, 0, 0, 0)),
            pl.BlockSpec((1, D), lambda b, lt: (0, 0)),
            pl.BlockSpec((1, D), lambda b, lt: (0, 0)),
            pl.BlockSpec((1, D), lambda b, lt: (0, 0)),
        ],
        out_specs=[
            pl.BlockSpec((None, TL, D), lambda b, lt: (b, lt, 0)),
            pl.BlockSpec((None, TL, D), lambda b, lt: (b, lt, 0)),
            pl.BlockSpec((None, 1, D), lambda b, lt: (b, 0, 0)),
            pl.BlockSpec((None, TL, H), lambda b, lt: (b, lt, 0)),
        ],
        out_shape=[
            jax.ShapeDtypeStruct((B, L, D), f32),
            jax.ShapeDtypeStruct((B, L, D), f32),
            jax.ShapeDtypeStruct((B, 1, D), f32),
            jax.ShapeDtypeStruct((B, L, H), f32),
        ],
    )(keys, values, queries, Wk.T, Wv.T, Wq.T, ksh,
      bk.reshape(1, D), bv.reshape(1, D), bq.reshape(1, D))

    vmean = vsum.reshape(B, D) / L
    m_t = m_arr.transpose(0, 2, 1)

    idx = pl.pallas_call(
        _topk_kernel,
        grid=(B,),
        in_specs=[pl.BlockSpec((None, H, L), lambda b: (b, 0, 0))],
        out_specs=pl.BlockSpec((None, H, 128), lambda b: (b, 0, 0)),
        out_shape=jax.ShapeDtypeStruct((B, H, 128), jnp.int32),
    )(m_t)
    m_top = idx[:, :, :U]

    wq_h = Wq.reshape(H, DK, D)
    q_rows = jnp.take_along_axis(queries[:, None, :, :],
                                 m_top[..., None], axis=2)
    q_sel = (jnp.einsum('bhjm,hdm->bhjd', q_rows, wq_h)
             + bq.reshape(H, DK)[None, :, None, :])
    qp = jnp.zeros((B, H // 2, 2, UP, 2, DK), f32)
    qp = qp.at[:, :, 0, :U, 0, :].set(q_sel[:, 0::2])
    qp = qp.at[:, :, 1, :U, 1, :].set(q_sel[:, 1::2])
    qp = qp.reshape(B, H // 2, 2 * UP, 2 * DK)

    attn, upd = pl.pallas_call(
        _attn_kernel,
        grid=(B, H // 2),
        in_specs=[
            pl.BlockSpec((None, None, 2 * UP, 2 * DK), lambda b, h: (b, h, 0, 0)),
            pl.BlockSpec((None, L, 2 * DK), lambda b, h: (b, 0, h)),
            pl.BlockSpec((None, L, 2 * DK), lambda b, h: (b, 0, h)),
        ],
        out_specs=[
            pl.BlockSpec((None, 2, U, L), lambda b, h: (b, h, 0, 0)),
            pl.BlockSpec((None, 2, UP, DK), lambda b, h: (b, h, 0, 0)),
        ],
        out_shape=[
            jax.ShapeDtypeStruct((B, H, U, L), f32),
            jax.ShapeDtypeStruct((B, H, UP, DK), f32),
        ],
    )(qp, k_arr, v_arr)

    wo_h = Wo.T.reshape(H, DK, D)
    delta = jnp.einsum('bhjd,hdm->bhjm',
                       upd[:, :, :U, :] - vmean.reshape(B, H, 1, DK),
                       wo_h)
    base = vmean @ Wo.T + bo

    idx_flat = m_top.reshape(B, H * U)
    order = jnp.argsort(idx_flat, axis=1).astype(jnp.int32)
    idx_sorted = jnp.take_along_axis(idx_flat, order, axis=1)
    starts = jax.vmap(
        lambda a: jnp.searchsorted(a, jnp.arange(NLO + 1) * TLO,
                                   side='left'))(idx_sorted).astype(jnp.int32)

    output = pl.pallas_call(
        _output_kernel,
        grid_spec=pltpu.PrefetchScalarGridSpec(
            num_scalar_prefetch=3,
            grid=(B, NLO),
            in_specs=[
                pl.BlockSpec((None, 1, D), lambda b, t, *_: (b, 0, 0)),
                pl.BlockSpec((None, H * U, D), lambda b, t, *_: (b, 0, 0)),
            ],
            out_specs=pl.BlockSpec((None, TLO, D),
                                   lambda b, t, *_: (b, t, 0)),
        ),
        out_shape=jax.ShapeDtypeStruct((B, L, D), f32),
    )(idx_sorted.reshape(B * H * U), order.reshape(B * H * U),
      starts.reshape(B * (NLO + 1)), base.reshape(B, 1, D),
      delta.reshape(B, H * U, D))

    return (output, attn)

# --- scband reference (transcript-rebuilt; emitter-appended) ---
"""Pipeline reference for scband-prob-sparse-attention-16003048145404 (READ-ONLY COPY).

The authoritative reference and input builder live on the scoring server;
editing this copy changes nothing except your own understanding.
"""

import jax, jax.numpy as jnp
import numpy as np
import math

B = 4
L = 8192
D_MODEL = 1024
N_HEADS = 16
D_K = D_MODEL // N_HEADS
FACTOR = 5


def setup_inputs(seed: int = 0) -> dict:
    key = jax.random.key(seed)
    ks = jax.random.split(key, 8)
    queries = jax.random.normal(ks[0], (B, L, D_MODEL), dtype=jnp.float32)
    keys = jax.random.normal(ks[1], (B, L, D_MODEL), dtype=jnp.float32)
    values = jax.random.normal(ks[2], (B, L, D_MODEL), dtype=jnp.float32)
    Wq = jax.random.normal(ks[3], (D_MODEL, D_MODEL), dtype=jnp.float32) * 0.02
    Wk = jax.random.normal(ks[4], (D_MODEL, D_MODEL), dtype=jnp.float32) * 0.02
    Wv = jax.random.normal(ks[5], (D_MODEL, D_MODEL), dtype=jnp.float32) * 0.02
    Wo = jax.random.normal(ks[6], (D_MODEL, D_MODEL), dtype=jnp.float32) * 0.02
    bq = jnp.zeros((D_MODEL,), dtype=jnp.float32)
    bk = jnp.zeros((D_MODEL,), dtype=jnp.float32)
    bv = jnp.zeros((D_MODEL,), dtype=jnp.float32)
    bo = jnp.zeros((D_MODEL,), dtype=jnp.float32)
    return {"queries": queries, "keys": keys, "values": values, "Wq": Wq, "bq": bq, "Wk": Wk, "bk": bk, "Wv": Wv, "bv": bv, "Wo": Wo, "bo": bo}


def reference(queries, keys, values, Wq, bq, Wk, bk, Wv, bv, Wo, bo):
    Bsz, L_Q, _ = queries.shape
    _, L_K, _ = keys.shape
    Q = (queries @ Wq.T + bq).reshape(Bsz, L_Q, N_HEADS, D_K).transpose(0, 2, 1, 3)
    K = (keys @ Wk.T + bk).reshape(Bsz, L_K, N_HEADS, D_K).transpose(0, 2, 1, 3)
    V = (values @ Wv.T + bv).reshape(Bsz, L_K, N_HEADS, D_K).transpose(0, 2, 1, 3)
    U = min(FACTOR * int(np.ceil(np.log(L_K + 1))), L_K)
    u = min(FACTOR * int(np.ceil(np.log(L_Q + 1))), L_Q)
    sample_idx = jax.random.randint(jax.random.key(42), (U,), 0, L_K)
    K_sample = K[:, :, sample_idx, :]
    Q_K_sample = Q @ jnp.swapaxes(K_sample, -2, -1)
    M = Q_K_sample.max(axis=-1) - Q_K_sample.mean(axis=-1)
    _, M_top = jax.lax.top_k(M, u)
    scale = 1.0 / math.sqrt(D_K)
    context = jnp.broadcast_to(V.mean(axis=2, keepdims=True), (Bsz, N_HEADS, L_Q, D_K))
    Q_selected = jnp.take_along_axis(Q, M_top[..., None], axis=2)
    scores = (Q_selected @ jnp.swapaxes(K, -2, -1)) * scale
    attn = jax.nn.softmax(scores, axis=-1)
    upd = attn @ V
    b_idx = jnp.arange(Bsz)[:, None, None]
    h_idx = jnp.arange(N_HEADS)[None, :, None]
    context = context.at[b_idx, h_idx, M_top, :].set(upd)
    context = context.transpose(0, 2, 1, 3).reshape(Bsz, L_Q, D_MODEL)
    output = context @ Wo.T + bo
    return (output, attn)

if __name__ == "__main__":
    import jax
    _d = setup_inputs()
    print(jax.jit(kernel)(*tuple(_d.values())))

</pallas_src>

<mosaic_0001>
module attributes {stable_mosaic.version = 14 : i64} {
  func.func @_fused_proj_kernel(%arg0: i32, %arg1: i32, %arg2: memref<1x512x1024xf32, #tpu.memory_space<vmem>>, %arg3: memref<1x512x1024xf32, #tpu.memory_space<vmem>>, %arg4: memref<1x512x1024xf32, #tpu.memory_space<vmem>>, %arg5: memref<1024x1024xf32, #tpu.memory_space<vmem>>, %arg6: memref<1024x1024xf32, #tpu.memory_space<vmem>>, %arg7: memref<1024x1024xf32, #tpu.memory_space<vmem>>, %arg8: memref<1x16x64x64xf32, #tpu.memory_space<vmem>>, %arg9: memref<1x1024xf32, #tpu.memory_space<vmem>>, %arg10: memref<1x1024xf32, #tpu.memory_space<vmem>>, %arg11: memref<1x1024xf32, #tpu.memory_space<vmem>>, %arg12: memref<1x512x1024xf32, #tpu.memory_space<vmem>>, %arg13: memref<1x512x1024xf32, #tpu.memory_space<vmem>>, %arg14: memref<1x1x1024xf32, #tpu.memory_space<vmem>>, %arg15: memref<1x512x16xf32, #tpu.memory_space<vmem>>) attributes {dimension_semantics = [#tpu.dimension_semantics<arbitrary>, #tpu.dimension_semantics<arbitrary>], iteration_bounds = array<i64: 4, 16>, scalar_prefetch = 0 : i64, scratch_operands = 0 : i64, tpu.core_type = #tpu.core_type<tc>, window_params = [{transform_indices = @transform_0, window_bounds = array<i64: 1, 512, 1024>}, {transform_indices = @transform_1, window_bounds = array<i64: 1, 512, 1024>}, {transform_indices = @transform_2, window_bounds = array<i64: 1, 512, 1024>}, {pipeline_mode = #tpu.pipeline_mode<synchronous>, transform_indices = @transform_3, window_bounds = array<i64: 1024, 1024>}, {pipeline_mode = #tpu.pipeline_mode<synchronous>, transform_indices = @transform_4, window_bounds = array<i64: 1024, 1024>}, {pipeline_mode = #tpu.pipeline_mode<synchronous>, transform_indices = @transform_5, window_bounds = array<i64: 1024, 1024>}, {transform_indices = @transform_6, window_bounds = array<i64: 1, 16, 64, 64>}, {pipeline_mode = #tpu.pipeline_mode<synchronous>, transform_indices = @transform_7, window_bounds = array<i64: 1, 1024>}, {pipeline_mode = #tpu.pipeline_mode<synchronous>, transform_indices = @transform_8, window_bounds = array<i64: 1, 1024>}, {pipeline_mode = #tpu.pipeline_mode<synchronous>, transform_indices = @transform_9, window_bounds = array<i64: 1, 1024>}, {transform_indices = @transform_10, window_bounds = array<i64: 1, 512, 1024>}, {transform_indices = @transform_11, window_bounds = array<i64: 1, 512, 1024>}, {transform_indices = @transform_12, window_bounds = array<i64: 1, 1, 1024>}, {transform_indices = @transform_13, window_bounds = array<i64: 1, 512, 16>}]} {
    %get3A = arith.constant 0 : index
    %get3A_0 = arith.constant 0 : index
    %get3A_1 = arith.constant 0 : index
    %get3A_2 = vector.load %arg2[%get3A, %get3A_0, %get3A_1] : memref<1x512x1024xf32, #tpu.memory_space<vmem>>, vector<1x512x1024xf32>
    %get3A_3 = vector.shape_cast %get3A_2 : vector<1x512x1024xf32> to vector<512x1024xf32>
    %get3A_4 = arith.constant 0 : index
    %get3A_5 = arith.constant 0 : index
    %get3A_6 = vector.load %arg5[%get3A_4, %get3A_5] : memref<1024x1024xf32, #tpu.memory_space<vmem>>, vector<1024x1024xf32>
    %convert_element_type3A = arith.truncf %get3A_3 : vector<512x1024xf32> to vector<512x1024xbf16>
    %convert_element_type3A_7 = arith.truncf %get3A_6 : vector<1024x1024xf32> to vector<1024x1024xbf16>
    %dot_general3A = arith.constant dense<0.000000e+00> : vector<512x1024xf32>
    %dot_general3A_8 = tpu.matmul %convert_element_type3A, %convert_element_type3A_7, %dot_general3A {dimension_numbers = #tpu.dot_dimension_numbers<[1], [0], [0], [1], [0, 0, 1, 1], [], []>, transpose_lhs_hint = false} : vector<512x1024xbf16>, vector<1024x1024xbf16>, vector<512x1024xf32> -> vector<512x1024xf32>
    %get3A_9 = arith.constant 0 : index
    %get3A_10 = arith.constant 0 : index
    %get3A_11 = vector.load %arg9[%get3A_9, %get3A_10] : memref<1x1024xf32, #tpu.memory_space<vmem>>, vector<1x1024xf32>
    %add3A = vector.broadcast %get3A_11 : vector<1x1024xf32> to vector<512x1024xf32>
    %add3A_12 = arith.addf %dot_general3A_8, %add3A : vector<512x1024xf32>
    %swap3A = arith.constant 0 : index
    %swap3A_13 = arith.constant 0 : index
    %swap3A_14 = arith.constant 0 : index
    %swap3A_15 = vector.load %arg12[%swap3A, %swap3A_13, %swap3A_14] : memref<1x512x1024xf32, #tpu.memory_space<vmem>>, vector<1x512x1024xf32>
    %swap3A_16 = vector.shape_cast %swap3A_15 : vector<1x512x1024xf32> to vector<512x1024xf32>
    %swap3A_17 = vector.shape_cast %add3A_12 : vector<512x1024xf32> to vector<1x512x1024xf32>
    tpu.vector_store %arg12[%swap3A, %swap3A_13, %swap3A_14], %swap3A_17 {strides = array<i32>} : memref<1x512x1024xf32, #tpu.memory_space<vmem>>, vector<1x512x1024xf32>,
    %get3A_18 = arith.constant 0 : index
    %get3A_19 = arith.constant 0 : index
    %get3A_20 = arith.constant 0 : index
    %get3A_21 = vector.load %arg3[%get3A_18, %get3A_19, %get3A_20] : memref<1x512x1024xf32, #tpu.memory_space<vmem>>, vector<1x512x1024xf32>
    %get3A_22 = vector.shape_cast %get3A_21 : vector<1x512x1024xf32> to vector<512x1024xf32>
    %get3A_23 = arith.constant 0 : index
    %get3A_24 = arith.constant 0 : index
    %get3A_25 = vector.load %arg6[%get3A_23, %get3A_24] : memref<1024x1024xf32, #tpu.memory_space<vmem>>, vector<1024x1024xf32>
    %convert_element_type3A_26 = arith.truncf %get3A_22 : vector<512x1024xf32> to vector<512x1024xbf16>
    %convert_element_type3A_27 = arith.truncf %get3A_25 : vector<1024x1024xf32> to vector<1024x1024xbf16>
    %dot_general3A_28 = arith.constant dense<0.000000e+00> : vector<512x1024xf32>
    %dot_general3A_29 = tpu.matmul %convert_element_type3A_26, %convert_element_type3A_27, %dot_general3A_28 {dimension_numbers = #tpu.dot_dimension_numbers<[1], [0], [0], [1], [0, 0, 1, 1], [], []>, transpose_lhs_hint = false} : vector<512x1024xbf16>, vector<1024x1024xbf16>, vector<512x1024xf32> -> vector<512x1024xf32>
    %get3A_30 = arith.constant 0 : index
    %get3A_31 = arith.constant 0 : index
    %get3A_32 = vector.load %arg10[%get3A_30, %get3A_31] : memref<1x1024xf32, #tpu.memory_space<vmem>>, vector<1x1024xf32>
    %add3A_33 = vector.broadcast %get3A_32 : vector<1x1024xf32> to vector<512x1024xf32>
    %add3A_34 = arith.addf %dot_general3A_29, %add3A_33 : vector<512x1024xf32>
    %swap3A_35 = arith.constant 0 : index
    %swap3A_36 = arith.constant 0 : index
    %swap3A_37 = arith.constant 0 : index
    %swap3A_38 = vector.load %arg13[%swap3A_35, %swap3A_36, %swap3A_37] : memref<1x512x1024xf32, #tpu.memory_space<vmem>>, vector<1x512x1024xf32>
    %swap3A_39 = vector.shape_cast %swap3A_38 : vector<1x512x1024xf32> to vector<512x1024xf32>
    %swap3A_40 = vector.shape_cast %add3A_34 : vector<512x1024xf32> to vector<1x512x1024xf32>
    tpu.vector_store %arg13[%swap3A_35, %swap3A_36, %swap3A_37], %swap3A_40 {strides = array<i32>} : memref<1x512x1024xf32, #tpu.memory_space<vmem>>, vector<1x512x1024xf32>,
    %eq3A = arith.constant 0 : i32
    %eq3A_41 = arith.cmpi eq, %arg1, %eq3A : i32
    %convert_element_type3A_42 = arith.extui %eq3A_41 : i1 to i32
    %cond3A = arith.constant 0 : i32
    %cond3A_43 = arith.cmpi ne, %convert_element_type3A_42, %cond3A : i32
    scf.if %cond3A_43 {
      %broadcast_in_dim3A_492 = arith.constant 0.000000e+00 : f32
      %broadcast_in_dim3A_493 = vector.broadcast %broadcast_in_dim3A_492 : f32 to vector<1x1024xf32>
      %swap3A_494 = arith.constant 0 : index
      %swap3A_495 = arith.constant 0 : index
      %swap3A_496 = arith.constant 0 : index
      %swap3A_497 = vector.load %arg14[%swap3A_494, %swap3A_495, %swap3A_496] : memref<1x1x1024xf32, #tpu.memory_space<vmem>>, vector<1x1x1024xf32>
      %swap3A_498 = vector.shape_cast %swap3A_497 : vector<1x1x1024xf32> to vector<1x1024xf32>
      %swap3A_499 = vector.shape_cast %broadcast_in_dim3A_493 : vector<1x1024xf32> to vector<1x1x1024xf32>
      tpu.vector_store %arg14[%swap3A_494, %swap3A_495, %swap3A_496], %swap3A_499 {strides = array<i32>} : memref<1x1x1024xf32, #tpu.memory_space<vmem>>, vector<1x1x1024xf32>,
    } else {
    }
    %get3A_44 = arith.constant 0 : index
    %get3A_45 = arith.constant 0 : index
    %get3A_46 = arith.constant 0 : index
    %get3A_47 = vector.load %arg14[%get3A_44, %get3A_45, %get3A_46] : memref<1x1x1024xf32, #tpu.memory_space<vmem>>, vector<1x1x1024xf32>
    %get3A_48 = vector.shape_cast %get3A_47 : vector<1x1x1024xf32> to vector<1x1024xf32>
    %reduce_sum3A = arith.constant dense<0.000000e+00> : vector<1024xf32>
    %reduce_sum3A_49 = vector.multi_reduction <add>, %add3A_34, %reduce_sum3A [0] : vector<512x1024xf32> to vector<1024xf32>
    %broadcast_in_dim3A = vector.shape_cast %reduce_sum3A_49 : vector<1024xf32> to vector<1x1024xf32>
    %add3A_50 = arith.addf %get3A_48, %broadcast_in_dim3A : vector<1x1024xf32>
    %swap3A_51 = arith.constant 0 : index
    %swap3A_52 = arith.constant 0 : index
    %swap3A_53 = arith.constant 0 : index
    %swap3A_54 = vector.load %arg14[%swap3A_51, %swap3A_52, %swap3A_53] : memref<1x1x1024xf32, #tpu.memory_space<vmem>>, vector<1x1x1024xf32>
    %swap3A_55 = vector.shape_cast %swap3A_54 : vector<1x1x1024xf32> to vector<1x1024xf32>
    %swap3A_56 = vector.shape_cast %add3A_50 : vector<1x1024xf32> to vector<1x1x1024xf32>
    tpu.vector_store %arg14[%swap3A_51, %swap3A_52, %swap3A_53], %swap3A_56 {strides = array<i32>} : memref<1x1x1024xf32, #tpu.memory_space<vmem>>, vector<1x1x1024xf32>,
    %get3A_57 = arith.constant 0 : index
    %get3A_58 = arith.constant 0 : index
    %get3A_59 = arith.constant 0 : index
    %get3A_60 = vector.load %arg4[%get3A_57, %get3A_58, %get3A_59] : memref<1x512x1024xf32, #tpu.memory_space<vmem>>, vector<1x512x1024xf32>
    %get3A_61 = vector.shape_cast %get3A_60 : vector<1x512x1024xf32> to vector<512x1024xf32>
    %get3A_62 = arith.constant 0 : index
    %get3A_63 = arith.constant 0 : index
    %get3A_64 = vector.load %arg7[%get3A_62, %get3A_63] : memref<1024x1024xf32, #tpu.memory_space<vmem>>, vector<1024x1024xf32>
    %convert_element_type3A_65 = arith.truncf %get3A_61 : vector<512x1024xf32> to vector<512x1024xbf16>
    %convert_element_type3A_66 = arith.truncf %get3A_64 : vector<1024x1024xf32> to vector<1024x1024xbf16>
    %dot_general3A_67 = arith.constant dense<0.000000e+00> : vector<512x1024xf32>
    %dot_general3A_68 = tpu.matmul %convert_element_type3A_65, %convert_element_type3A_66, %dot_general3A_67 {dimension_numbers = #tpu.dot_dimension_numbers<[1], [0], [0], [1], [0, 0, 1, 1], [], []>, transpose_lhs_hint = false} : vector<512x1024xbf16>, vector<1024x1024xbf16>, vector<512x1024xf32> -> vector<512x1024xf32>
    %get3A_69 = arith.constant 0 : index
    %get3A_70 = arith.constant 0 : index
    %get3A_71 = vector.load %arg11[%get3A_69, %get3A_70] : memref<1x1024xf32, #tpu.memory_space<vmem>>, vector<1x1024xf32>
    %add3A_72 = vector.broadcast %get3A_71 : vector<1x1024xf32> to vector<512x1024xf32>
    %add3A_73 = arith.addf %dot_general3A_68, %add3A_72 : vector<512x1024xf32>
    %iota3A = tpu.iota {dimensions = array<i32: 1>} : vector<1x64xi32>
    %ge3A = arith.constant 50 : i32
    %ge3A_74 = vector.broadcast %ge3A : i32 to vector<1x64xi32>
    %ge3A_75 = arith.cmpi sge, %iota3A, %ge3A_74 : vector<1x64xi32>
    %slice3A = vector.extract_strided_slice %add3A_73 {offsets = [0, 0], sizes = [512, 64], strides = [1, 1]} : vector<512x1024xf32> to vector<512x64xf32>
    %get3A_76 = arith.constant 0 : index
    %get3A_77 = arith.constant 0 : index
    %get3A_78 = arith.constant 0 : index
    %get3A_79 = arith.constant 0 : index
    %get3A_80 = vector.load %arg8[%get3A_76, %get3A_77, %get3A_78, %get3A_79] : memref<1x16x64x64xf32, #tpu.memory_space<vmem>>, vector<1x1x64x64xf32>
    %get3A_81 = vector.shape_cast %get3A_80 : vector<1x1x64x64xf32> to vector<64x64xf32>
    %convert_element_type3A_82 = arith.truncf %slice3A : vector<512x64xf32> to vector<512x64xbf16>
    %convert_element_type3A_83 = arith.truncf %get3A_81 : vector<64x64xf32> to vector<64x64xbf16>
    %dot_general3A_84 = arith.constant dense<0.000000e+00> : vector<512x64xf32>
    %dot_general3A_85 = tpu.matmul %convert_element_type3A_82, %convert_element_type3A_83, %dot_general3A_84 {dimension_numbers = #tpu.dot_dimension_numbers<[1], [0], [0], [1], [0, 0, 1, 1], [], []>, transpose_lhs_hint = false} : vector<512x64xbf16>, vector<64x64xbf16>, vector<512x64xf32> -> vector<512x64xf32>
    %jit3A = arith.constant -1.000000e+30 : f32
    %broadcast_in_dim3A_86 = vector.shape_cast %ge3A_75 : vector<1x64xi1> to vector<1x64xi1>
    %broadcast_in_dim3A_87 = vector.broadcast %broadcast_in_dim3A_86 : vector<1x64xi1> to vector<512x64xi1>
    %broadcast_in_dim3A_88 = vector.broadcast %jit3A : f32 to vector<512x64xf32>
    %select_n3A = arith.select %broadcast_in_dim3A_87, %broadcast_in_dim3A_88, %dot_general3A_85 : vector<512x64xi1>, vector<512x64xf32>
    %reduce_max3A = arith.constant dense<0xFF800000> : vector<512xf32>
    %reduce_max3A_89 = vector.multi_reduction <maximumf>, %select_n3A, %reduce_max3A [1] : vector<512x64xf32> to vector<512xf32>
    %broadcast_in_dim3A_90 = vector.shape_cast %reduce_max3A_89 : vector<512xf32> to vector<512x1xf32>
    %reduce_sum3A_91 = arith.constant dense<0.000000e+00> : vector<512xf32>
    %reduce_sum3A_92 = vector.multi_reduction <add>, %dot_general3A_85, %reduce_sum3A_91 [1] : vector<512x64xf32> to vector<512xf32>
    %broadcast_in_dim3A_93 = vector.shape_cast %reduce_sum3A_92 : vector<512xf32> to vector<512x1xf32>
    %div3A = arith.constant 5.000000e+01 : f32
    %div3A_94 = vector.broadcast %div3A : f32 to vector<512x1xf32>
    %div3A_95 = arith.divf %broadcast_in_dim3A_93, %div3A_94 : vector<512x1xf32>
    %sub3A = arith.subf %broadcast_in_dim3A_90, %div3A_95 : vector<512x1xf32>
    %slice3A_96 = vector.extract_strided_slice %add3A_73 {offsets = [0, 64], sizes = [512, 64], strides = [1, 1]} : vector<512x1024xf32> to vector<512x64xf32>
    %get3A_97 = arith.constant 0 : index
    %get3A_98 = arith.constant 1 : index
    %get3A_99 = arith.constant 0 : index
    %get3A_100 = arith.constant 0 : index
    %get3A_101 = vector.load %arg8[%get3A_97, %get3A_98, %get3A_99, %get3A_100] : memref<1x16x64x64xf32, #tpu.memory_space<vmem>>, vector<1x1x64x64xf32>
    %get3A_102 = vector.shape_cast %get3A_101 : vector<1x1x64x64xf32> to vector<64x64xf32>
    %convert_element_type3A_103 = arith.truncf %slice3A_96 : vector<512x64xf32> to vector<512x64xbf16>
    %convert_element_type3A_104 = arith.truncf %get3A_102 : vector<64x64xf32> to vector<64x64xbf16>
    %dot_general3A_105 = arith.constant dense<0.000000e+00> : vector<512x64xf32>
    %dot_general3A_106 = tpu.matmul %convert_element_type3A_103, %convert_element_type3A_104, %dot_general3A_105 {dimension_numbers = #tpu.dot_dimension_numbers<[1], [0], [0], [1], [0, 0, 1, 1], [], []>, transpose_lhs_hint = false} : vector<512x64xbf16>, vector<64x64xbf16>, vector<512x64xf32> -> vector<512x64xf32>
    %jit3A_107 = arith.constant -1.000000e+30 : f32
    %broadcast_in_dim3A_108 = vector.shape_cast %ge3A_75 : vector<1x64xi1> to vector<1x64xi1>
    %broadcast_in_dim3A_109 = vector.broadcast %broadcast_in_dim3A_108 : vector<1x64xi1> to vector<512x64xi1>
    %broadcast_in_dim3A_110 = vector.broadcast %jit3A_107 : f32 to vector<512x64xf32>
    %select_n3A_111 = arith.select %broadcast_in_dim3A_109, %broadcast_in_dim3A_110, %dot_general3A_106 : vector<512x64xi1>, vector<512x64xf32>
    %reduce_max3A_112 = arith.constant dense<0xFF800000> : vector<512xf32>
    %reduce_max3A_113 = vector.multi_reduction <maximumf>, %select_n3A_111, %reduce_max3A_112 [1] : vector<512x64xf32> to vector<512xf32>
    %broadcast_in_dim3A_114 = vector.shape_cast %reduce_max3A_113 : vector<512xf32> to vector<512x1xf32>
    %reduce_sum3A_115 = arith.constant dense<0.000000e+00> : vector<512xf32>
    %reduce_sum3A_116 = vector.multi_reduction <add>, %dot_general3A_106, %reduce_sum3A_115 [1] : vector<512x64xf32> to vector<512xf32>
    %broadcast_in_dim3A_117 = vector.shape_cast %reduce_sum3A_116 : vector<512xf32> to vector<512x1xf32>
    %div3A_118 = arith.constant 5.000000e+01 : f32
    %div3A_119 = vector.broadcast %div3A_118 : f32 to vector<512x1xf32>
    %div3A_120 = arith.divf %broadcast_in_dim3A_117, %div3A_119 : vector<512x1xf32>
    %sub3A_121 = arith.subf %broadcast_in_dim3A_114, %div3A_120 : vector<512x1xf32>
    %slice3A_122 = vector.extract_strided_slice %add3A_73 {offsets = [0, 128], sizes = [512, 64], strides = [1, 1]} : vector<512x1024xf32> to vector<512x64xf32>
    %get3A_123 = arith.constant 0 : index
    %get3A_124 = arith.constant 2 : index
    %get3A_125 = arith.constant 0 : index
    %get3A_126 = arith.constant 0 : index
    %get3A_127 = vector.load %arg8[%get3A_123, %get3A_124, %get3A_125, %get3A_126] : memref<1x16x64x64xf32, #tpu.memory_space<vmem>>, vector<1x1x64x64xf32>
    %get3A_128 = vector.shape_cast %get3A_127 : vector<1x1x64x64xf32> to vector<64x64xf32>
    %convert_element_type3A_129 = arith.truncf %slice3A_122 : vector<512x64xf32> to vector<512x64xbf16>
    %convert_element_type3A_130 = arith.truncf %get3A_128 : vector<64x64xf32> to vector<64x64xbf16>
    %dot_general3A_131 = arith.constant dense<0.000000e+00> : vector<512x64xf32>
    %dot_general3A_132 = tpu.matmul %convert_element_type3A_129, %convert_element_type3A_130, %dot_general3A_131 {dimension_numbers = #tpu.dot_dimension_numbers<[1], [0], [0], [1], [0, 0, 1, 1], [], []>, transpose_lhs_hint = false} : vector<512x64xbf16>, vector<64x64xbf16>, vector<512x64xf32> -> vector<512x64xf32>
    %jit3A_133 = arith.constant -1.000000e+30 : f32
    %broadcast_in_dim3A_134 = vector.shape_cast %ge3A_75 : vector<1x64xi1> to vector<1x64xi1>
    %broadcast_in_dim3A_135 = vector.broadcast %broadcast_in_dim3A_134 : vector<1x64xi1> to vector<512x64xi1>
    %broadcast_in_dim3A_136 = vector.broadcast %jit3A_133 : f32 to vector<512x64xf32>
    %select_n3A_137 = arith.select %broadcast_in_dim3A_135, %broadcast_in_dim3A_136, %dot_general3A_132 : vector<512x64xi1>, vector<512x64xf32>
    %reduce_max3A_138 = arith.constant dense<0xFF800000> : vector<512xf32>
    %reduce_max3A_139 = vector.multi_reduction <maximumf>, %select_n3A_137, %reduce_max3A_138 [1] : vector<512x64xf32> to vector<512xf32>
    %broadcast_in_dim3A_140 = vector.shape_cast %reduce_max3A_139 : vector<512xf32> to vector<512x1xf32>
    %reduce_sum3A_141 = arith.constant dense<0.000000e+00> : vector<512xf32>
    %reduce_sum3A_142 = vector.multi_reduction <add>, %dot_general3A_132, %reduce_sum3A_141 [1] : vector<512x64xf32> to vector<512xf32>
    %broadcast_in_dim3A_143 = vector.shape_cast %reduce_sum3A_142 : vector<512xf32> to vector<512x1xf32>
    %div3A_144 = arith.constant 5.000000e+01 : f32
    %div3A_145 = vector.broadcast %div3A_144 : f32 to vector<512x1xf32>
    %div3A_146 = arith.divf %broadcast_in_dim3A_143, %div3A_145 : vector<512x1xf32>
    %sub3A_147 = arith.subf %broadcast_in_dim3A_140, %div3A_146 : vector<512x1xf32>
    %slice3A_148 = vector.extract_strided_slice %add3A_73 {offsets = [0, 192], sizes = [512, 64], strides = [1, 1]} : vector<512x1024xf32> to vector<512x64xf32>
    %get3A_149 = arith.constant 0 : index
    %get3A_150 = arith.constant 3 : index
    %get3A_151 = arith.constant 0 : index
    %get3A_152 = arith.constant 0 : index
    %get3A_153 = vector.load %arg8[%get3A_149, %get3A_150, %get3A_151, %get3A_152] : memref<1x16x64x64xf32, #tpu.memory_space<vmem>>, vector<1x1x64x64xf32>
    %get3A_154 = vector.shape_cast %get3A_153 : vector<1x1x64x64xf32> to vector<64x64xf32>
    %convert_element_type3A_155 = arith.truncf %slice3A_148 : vector<512x64xf32> to vector<512x64xbf16>
    %convert_element_type3A_156 = arith.truncf %get3A_154 : vector<64x64xf32> to vector<64x64xbf16>
    %dot_general3A_157 = arith.constant dense<0.000000e+00> : vector<512x64xf32>
    %dot_general3A_158 = tpu.matmul %convert_element_type3A_155, %convert_element_type3A_156, %dot_general3A_157 {dimension_numbers = #tpu.dot_dimension_numbers<[1], [0], [0], [1], [0, 0, 1, 1], [], []>, transpose_lhs_hint = false} : vector<512x64xbf16>, vector<64x64xbf16>, vector<512x64xf32> -> vector<512x64xf32>
    %jit3A_159 = arith.constant -1.000000e+30 : f32
    %broadcast_in_dim3A_160 = vector.shape_cast %ge3A_75 : vector<1x64xi1> to vector<1x64xi1>
    %broadcast_in_dim3A_161 = vector.broadcast %broadcast_in_dim3A_160 : vector<1x64xi1> to vector<512x64xi1>
    %broadcast_in_dim3A_162 = vector.broadcast %jit3A_159 : f32 to vector<512x64xf32>
    %select_n3A_163 = arith.select %broadcast_in_dim3A_161, %broadcast_in_dim3A_162, %dot_general3A_158 : vector<512x64xi1>, vector<512x64xf32>
    %reduce_max3A_164 = arith.constant dense<0xFF800000> : vector<512xf32>
    %reduce_max3A_165 = vector.multi_reduction <maximumf>, %select_n3A_163, %reduce_max3A_164 [1] : vector<512x64xf32> to vector<512xf32>
    %broadcast_in_dim3A_166 = vector.shape_cast %reduce_max3A_165 : vector<512xf32> to vector<512x1xf32>
    %reduce_sum3A_167 = arith.constant dense<0.000000e+00> : vector<512xf32>
    %reduce_sum3A_168 = vector.multi_reduction <add>, %dot_general3A_158, %reduce_sum3A_167 [1] : vector<512x64xf32> to vector<512xf32>
    %broadcast_in_dim3A_169 = vector.shape_cast %reduce_sum3A_168 : vector<512xf32> to vector<512x1xf32>
    %div3A_170 = arith.constant 5.000000e+01 : f32
    %div3A_171 = vector.broadcast %div3A_170 : f32 to vector<512x1xf32>
    %div3A_172 = arith.divf %broadcast_in_dim3A_169, %div3A_171 : vector<512x1xf32>
    %sub3A_173 = arith.subf %broadcast_in_dim3A_166, %div3A_172 : vector<512x1xf32>
    %slice3A_174 = vector.extract_strided_slice %add3A_73 {offsets = [0, 256], sizes = [512, 64], strides = [1, 1]} : vector<512x1024xf32> to vector<512x64xf32>
    %get3A_175 = arith.constant 0 : index
    %get3A_176 = arith.constant 4 : index
    %get3A_177 = arith.constant 0 : index
    %get3A_178 = arith.constant 0 : index
    %get3A_179 = vector.load %arg8[%get3A_175, %get3A_176, %get3A_177, %get3A_178] : memref<1x16x64x64xf32, #tpu.memory_space<vmem>>, vector<1x1x64x64xf32>
    %get3A_180 = vector.shape_cast %get3A_179 : vector<1x1x64x64xf32> to vector<64x64xf32>
    %convert_element_type3A_181 = arith.truncf %slice3A_174 : vector<512x64xf32> to vector<512x64xbf16>
    %convert_element_type3A_182 = arith.truncf %get3A_180 : vector<64x64xf32> to vector<64x64xbf16>
    %dot_general3A_183 = arith.constant dense<0.000000e+00> : vector<512x64xf32>
    %dot_general3A_184 = tpu.matmul %convert_element_type3A_181, %convert_element_type3A_182, %dot_general3A_183 {dimension_numbers = #tpu.dot_dimension_numbers<[1], [0], [0], [1], [0, 0, 1, 1], [], []>, transpose_lhs_hint = false} : vector<512x64xbf16>, vector<64x64xbf16>, vector<512x64xf32> -> vector<512x64xf32>
    %jit3A_185 = arith.constant -1.000000e+30 : f32
    %broadcast_in_dim3A_186 = vector.shape_cast %ge3A_75 : vector<1x64xi1> to vector<1x64xi1>
    %broadcast_in_dim3A_187 = vector.broadcast %broadcast_in_dim3A_186 : vector<1x64xi1> to vector<512x64xi1>
    %broadcast_in_dim3A_188 = vector.broadcast %jit3A_185 : f32 to vector<512x64xf32>
    %select_n3A_189 = arith.select %broadcast_in_dim3A_187, %broadcast_in_dim3A_188, %dot_general3A_184 : vector<512x64xi1>, vector<512x64xf32>
    %reduce_max3A_190 = arith.constant dense<0xFF800000> : vector<512xf32>
    %reduce_max3A_191 = vector.multi_reduction <maximumf>, %select_n3A_189, %reduce_max3A_190 [1] : vector<512x64xf32> to vector<512xf32>
    %broadcast_in_dim3A_192 = vector.shape_cast %reduce_max3A_191 : vector<512xf32> to vector<512x1xf32>
    %reduce_sum3A_193 = arith.constant dense<0.000000e+00> : vector<512xf32>
    %reduce_sum3A_194 = vector.multi_reduction <add>, %dot_general3A_184, %reduce_sum3A_193 [1] : vector<512x64xf32> to vector<512xf32>
    %broadcast_in_dim3A_195 = vector.shape_cast %reduce_sum3A_194 : vector<512xf32> to vector<512x1xf32>
    %div3A_196 = arith.constant 5.000000e+01 : f32
    %div3A_197 = vector.broadcast %div3A_196 : f32 to vector<512x1xf32>
    %div3A_198 = arith.divf %broadcast_in_dim3A_195, %div3A_197 : vector<512x1xf32>
    %sub3A_199 = arith.subf %broadcast_in_dim3A_192, %div3A_198 : vector<512x1xf32>
    %slice3A_200 = vector.extract_strided_slice %add3A_73 {offsets = [0, 320], sizes = [512, 64], strides = [1, 1]} : vector<512x1024xf32> to vector<512x64xf32>
    %get3A_201 = arith.constant 0 : index
    %get3A_202 = arith.constant 5 : index
    %get3A_203 = arith.constant 0 : index
    %get3A_204 = arith.constant 0 : index
    %get3A_205 = vector.load %arg8[%get3A_201, %get3A_202, %get3A_203, %get3A_204] : memref<1x16x64x64xf32, #tpu.memory_space<vmem>>, vector<1x1x64x64xf32>
    %get3A_206 = vector.shape_cast %get3A_205 : vector<1x1x64x64xf32> to vector<64x64xf32>
    %convert_element_type3A_207 = arith.truncf %slice3A_200 : vector<512x64xf32> to vector<512x64xbf16>
    %convert_element_type3A_208 = arith.truncf %get3A_206 : vector<64x64xf32> to vector<64x64xbf16>
    %dot_general3A_209 = arith.constant dense<0.000000e+00> : vector<512x64xf32>
    %dot_general3A_210 = tpu.matmul %convert_element_type3A_207, %convert_element_type3A_208, %dot_general3A_209 {dimension_numbers = #tpu.dot_dimension_numbers<[1], [0], [0], [1], [0, 0, 1, 1], [], []>, transpose_lhs_hint = false} : vector<512x64xbf16>, vector<64x64xbf16>, vector<512x64xf32> -> vector<512x64xf32>
    %jit3A_211 = arith.constant -1.000000e+30 : f32
    %broadcast_in_dim3A_212 = vector.shape_cast %ge3A_75 : vector<1x64xi1> to vector<1x64xi1>
    %broadcast_in_dim3A_213 = vector.broadcast %broadcast_in_dim3A_212 : vector<1x64xi1> to vector<512x64xi1>
    %broadcast_in_dim3A_214 = vector.broadcast %jit3A_211 : f32 to vector<512x64xf32>
    %select_n3A_215 = arith.select %broadcast_in_dim3A_213, %broadcast_in_dim3A_214, %dot_general3A_210 : vector<512x64xi1>, vector<512x64xf32>
    %reduce_max3A_216 = arith.constant dense<0xFF800000> : vector<512xf32>
    %reduce_max3A_217 = vector.multi_reduction <maximumf>, %select_n3A_215, %reduce_max3A_216 [1] : vector<512x64xf32> to vector<512xf32>
    %broadcast_in_dim3A_218 = vector.shape_cast %reduce_max3A_217 : vector<512xf32> to vector<512x1xf32>
    %reduce_sum3A_219 = arith.constant dense<0.000000e+00> : vector<512xf32>
    %reduce_sum3A_220 = vector.multi_reduction <add>, %dot_general3A_210, %reduce_sum3A_219 [1] : vector<512x64xf32> to vector<512xf32>
    %broadcast_in_dim3A_221 = vector.shape_cast %reduce_sum3A_220 : vector<512xf32> to vector<512x1xf32>
    %div3A_222 = arith.constant 5.000000e+01 : f32
    %div3A_223 = vector.broadcast %div3A_222 : f32 to vector<512x1xf32>
    %div3A_224 = arith.divf %broadcast_in_dim3A_221, %div3A_223 : vector<512x1xf32>
    %sub3A_225 = arith.subf %broadcast_in_dim3A_218, %div3A_224 : vector<512x1xf32>
    %slice3A_226 = vector.extract_strided_slice %add3A_73 {offsets = [0, 384], sizes = [512, 64], strides = [1, 1]} : vector<512x1024xf32> to vector<512x64xf32>
    %get3A_227 = arith.constant 0 : index
    %get3A_228 = arith.constant 6 : index
    %get3A_229 = arith.constant 0 : index
    %get3A_230 = arith.constant 0 : index
    %get3A_231 = vector.load %arg8[%get3A_227, %get3A_228, %get3A_229, %get3A_230] : memref<1x16x64x64xf32, #tpu.memory_space<vmem>>, vector<1x1x64x64xf32>
    %get3A_232 = vector.shape_cast %get3A_231 : vector<1x1x64x64xf32> to vector<64x64xf32>
    %convert_element_type3A_233 = arith.truncf %slice3A_226 : vector<512x64xf32> to vector<512x64xbf16>
    %convert_element_type3A_234 = arith.truncf %get3A_232 : vector<64x64xf32> to vector<64x64xbf16>
    %dot_general3A_235 = arith.constant dense<0.000000e+00> : vector<512x64xf32>
    %dot_general3A_236 = tpu.matmul %convert_element_type3A_233, %convert_element_type3A_234, %dot_general3A_235 {dimension_numbers = #tpu.dot_dimension_numbers<[1], [0], [0], [1], [0, 0, 1, 1], [], []>, transpose_lhs_hint = false} : vector<512x64xbf16>, vector<64x64xbf16>, vector<512x64xf32> -> vector<512x64xf32>
    %jit3A_237 = arith.constant -1.000000e+30 : f32
    %broadcast_in_dim3A_238 = vector.shape_cast %ge3A_75 : vector<1x64xi1> to vector<1x64xi1>
    %broadcast_in_dim3A_239 = vector.broadcast %broadcast_in_dim3A_238 : vector<1x64xi1> to vector<512x64xi1>
    %broadcast_in_dim3A_240 = vector.broadcast %jit3A_237 : f32 to vector<512x64xf32>
    %select_n3A_241 = arith.select %broadcast_in_dim3A_239, %broadcast_in_dim3A_240, %dot_general3A_236 : vector<512x64xi1>, vector<512x64xf32>
    %reduce_max3A_242 = arith.constant dense<0xFF800000> : vector<512xf32>
    %reduce_max3A_243 = vector.multi_reduction <maximumf>, %select_n3A_241, %reduce_max3A_242 [1] : vector<512x64xf32> to vector<512xf32>
    %broadcast_in_dim3A_244 = vector.shape_cast %reduce_max3A_243 : vector<512xf32> to vector<512x1xf32>
    %reduce_sum3A_245 = arith.constant dense<0.000000e+00> : vector<512xf32>
    %reduce_sum3A_246 = vector.multi_reduction <add>, %dot_general3A_236, %reduce_sum3A_245 [1] : vector<512x64xf32> to vector<512xf32>
    %broadcast_in_dim3A_247 = vector.shape_cast %reduce_sum3A_246 : vector<512xf32> to vector<512x1xf32>
    %div3A_248 = arith.constant 5.000000e+01 : f32
    %div3A_249 = vector.broadcast %div3A_248 : f32 to vector<512x1xf32>
    %div3A_250 = arith.divf %broadcast_in_dim3A_247, %div3A_249 : vector<512x1xf32>
    %sub3A_251 = arith.subf %broadcast_in_dim3A_244, %div3A_250 : vector<512x1xf32>
    %slice3A_252 = vector.extract_strided_slice %add3A_73 {offsets = [0, 448], sizes = [512, 64], strides = [1, 1]} : vector<512x1024xf32> to vector<512x64xf32>
    %get3A_253 = arith.constant 0 : index
    %get3A_254 = arith.constant 7 : index
    %get3A_255 = arith.constant 0 : index
    %get3A_256 = arith.constant 0 : index
    %get3A_257 = vector.load %arg8[%get3A_253, %get3A_254, %get3A_255, %get3A_256] : memref<1x16x64x64xf32, #tpu.memory_space<vmem>>, vector<1x1x64x64xf32>
    %get3A_258 = vector.shape_cast %get3A_257 : vector<1x1x64x64xf32> to vector<64x64xf32>
    %convert_element_type3A_259 = arith.truncf %slice3A_252 : vector<512x64xf32> to vector<512x64xbf16>
    %convert_element_type3A_260 = arith.truncf %get3A_258 : vector<64x64xf32> to vector<64x64xbf16>
    %dot_general3A_261 = arith.constant dense<0.000000e+00> : vector<512x64xf32>
    %dot_general3A_262 = tpu.matmul %convert_element_type3A_259, %convert_element_type3A_260, %dot_general3A_261 {dimension_numbers = #tpu.dot_dimension_numbers<[1], [0], [0], [1], [0, 0, 1, 1], [], []>, transpose_lhs_hint = false} : vector<512x64xbf16>, vector<64x64xbf16>, vector<512x64xf32> -> vector<512x64xf32>
    %jit3A_263 = arith.constant -1.000000e+30 : f32
    %broadcast_in_dim3A_264 = vector.shape_cast %ge3A_75 : vector<1x64xi1> to vector<1x64xi1>
    %broadcast_in_dim3A_265 = vector.broadcast %broadcast_in_dim3A_264 : vector<1x64xi1> to vector<512x64xi1>
    %broadcast_in_dim3A_266 = vector.broadcast %jit3A_263 : f32 to vector<512x64xf32>
    %select_n3A_267 = arith.select %broadcast_in_dim3A_265, %broadcast_in_dim3A_266, %dot_general3A_262 : vector<512x64xi1>, vector<512x64xf32>
    %reduce_max3A_268 = arith.constant dense<0xFF800000> : vector<512xf32>
    %reduce_max3A_269 = vector.multi_reduction <maximumf>, %select_n3A_267, %reduce_max3A_268 [1] : vector<512x64xf32> to vector<512xf32>
    %broadcast_in_dim3A_270 = vector.shape_cast %reduce_max3A_269 : vector<512xf32> to vector<512x1xf32>
    %reduce_sum3A_271 = arith.constant dense<0.000000e+00> : vector<512xf32>
    %reduce_sum3A_272 = vector.multi_reduction <add>, %dot_general3A_262, %reduce_sum3A_271 [1] : vector<512x64xf32> to vector<512xf32>
    %broadcast_in_dim3A_273 = vector.shape_cast %reduce_sum3A_272 : vector<512xf32> to vector<512x1xf32>
    %div3A_274 = arith.constant 5.000000e+01 : f32
    %div3A_275 = vector.broadcast %div3A_274 : f32 to vector<512x1xf32>
    %div3A_276 = arith.divf %broadcast_in_dim3A_273, %div3A_275 : vector<512x1xf32>
    %sub3A_277 = arith.subf %broadcast_in_dim3A_270, %div3A_276 : vector<512x1xf32>
    %slice3A_278 = vector.extract_strided_slice %add3A_73 {offsets = [0, 512], sizes = [512, 64], strides = [1, 1]} : vector<512x1024xf32> to vector<512x64xf32>
    %get3A_279 = arith.constant 0 : index
    %get3A_280 = arith.constant 8 : index
    %get3A_281 = arith.constant 0 : index
    %get3A_282 = arith.constant 0 : index
    %get3A_283 = vector.load %arg8[%get3A_279, %get3A_280, %get3A_281, %get3A_282] : memref<1x16x64x64xf32, #tpu.memory_space<vmem>>, vector<1x1x64x64xf32>
    %get3A_284 = vector.shape_cast %get3A_283 : vector<1x1x64x64xf32> to vector<64x64xf32>
    %convert_element_type3A_285 = arith.truncf %slice3A_278 : vector<512x64xf32> to vector<512x64xbf16>
    %convert_element_type3A_286 = arith.truncf %get3A_284 : vector<64x64xf32> to vector<64x64xbf16>
    %dot_general3A_287 = arith.constant dense<0.000000e+00> : vector<512x64xf32>
    %dot_general3A_288 = tpu.matmul %convert_element_type3A_285, %convert_element_type3A_286, %dot_general3A_287 {dimension_numbers = #tpu.dot_dimension_numbers<[1], [0], [0], [1], [0, 0, 1, 1], [], []>, transpose_lhs_hint = false} : vector<512x64xbf16>, vector<64x64xbf16>, vector<512x64xf32> -> vector<512x64xf32>
    %jit3A_289 = arith.constant -1.000000e+30 : f32
    %broadcast_in_dim3A_290 = vector.shape_cast %ge3A_75 : vector<1x64xi1> to vector<1x64xi1>
    %broadcast_in_dim3A_291 = vector.broadcast %broadcast_in_dim3A_290 : vector<1x64xi1> to vector<512x64xi1>
    %broadcast_in_dim3A_292 = vector.broadcast %jit3A_289 : f32 to vector<512x64xf32>
    %select_n3A_293 = arith.select %broadcast_in_dim3A_291, %broadcast_in_dim3A_292, %dot_general3A_288 : vector<512x64xi1>, vector<512x64xf32>
    %reduce_max3A_294 = arith.constant dense<0xFF800000> : vector<512xf32>
    %reduce_max3A_295 = vector.multi_reduction <maximumf>, %select_n3A_293, %reduce_max3A_294 [1] : vector<512x64xf32> to vector<512xf32>
    %broadcast_in_dim3A_296 = vector.shape_cast %reduce_max3A_295 : vector<512xf32> to vector<512x1xf32>
    %reduce_sum3A_297 = arith.constant dense<0.000000e+00> : vector<512xf32>
    %reduce_sum3A_298 = vector.multi_reduction <add>, %dot_general3A_288, %reduce_sum3A_297 [1] : vector<512x64xf32> to vector<512xf32>
    %broadcast_in_dim3A_299 = vector.shape_cast %reduce_sum3A_298 : vector<512xf32> to vector<512x1xf32>
    %div3A_300 = arith.constant 5.000000e+01 : f32
    %div3A_301 = vector.broadcast %div3A_300 : f32 to vector<512x1xf32>
    %div3A_302 = arith.divf %broadcast_in_dim3A_299, %div3A_301 : vector<512x1xf32>
    %sub3A_303 = arith.subf %broadcast_in_dim3A_296, %div3A_302 : vector<512x1xf32>
    %slice3A_304 = vector.extract_strided_slice %add3A_73 {offsets = [0, 576], sizes = [512, 64], strides = [1, 1]} : vector<512x1024xf32> to vector<512x64xf32>
    %get3A_305 = arith.constant 0 : index
    %get3A_306 = arith.constant 9 : index
    %get3A_307 = arith.constant 0 : index
    %get3A_308 = arith.constant 0 : index
    %get3A_309 = vector.load %arg8[%get3A_305, %get3A_306, %get3A_307, %get3A_308] : memref<1x16x64x64xf32, #tpu.memory_space<vmem>>, vector<1x1x64x64xf32>
    %get3A_310 = vector.shape_cast %get3A_309 : vector<1x1x64x64xf32> to vector<64x64xf32>
    %convert_element_type3A_311 = arith.truncf %slice3A_304 : vector<512x64xf32> to vector<512x64xbf16>
    %convert_element_type3A_312 = arith.truncf %get3A_310 : vector<64x64xf32> to vector<64x64xbf16>
    %dot_general3A_313 = arith.constant dense<0.000000e+00> : vector<512x64xf32>
    %dot_general3A_314 = tpu.matmul %convert_element_type3A_311, %convert_element_type3A_312, %dot_general3A_313 {dimension_numbers = #tpu.dot_dimension_numbers<[1], [0], [0], [1], [0, 0, 1, 1], [], []>, transpose_lhs_hint = false} : vector<512x64xbf16>, vector<64x64xbf16>, vector<512x64xf32> -> vector<512x64xf32>
    %jit3A_315 = arith.constant -1.000000e+30 : f32
    %broadcast_in_dim3A_316 = vector.shape_cast %ge3A_75 : vector<1x64xi1> to vector<1x64xi1>
    %broadcast_in_dim3A_317 = vector.broadcast %broadcast_in_dim3A_316 : vector<1x64xi1> to vector<512x64xi1>
    %broadcast_in_dim3A_318 = vector.broadcast %jit3A_315 : f32 to vector<512x64xf32>
    %select_n3A_319 = arith.select %broadcast_in_dim3A_317, %broadcast_in_dim3A_318, %dot_general3A_314 : vector<512x64xi1>, vector<512x64xf32>
    %reduce_max3A_320 = arith.constant dense<0xFF800000> : vector<512xf32>
    %reduce_max3A_321 = vector.multi_reduction <maximumf>, %select_n3A_319, %reduce_max3A_320 [1] : vector<512x64xf32> to vector<512xf32>
    %broadcast_in_dim3A_322 = vector.shape_cast %reduce_max3A_321 : vector<512xf32> to vector<512x1xf32>
    %reduce_sum3A_323 = arith.constant dense<0.000000e+00> : vector<512xf32>
    %reduce_sum3A_324 = vector.multi_reduction <add>, %dot_general3A_314, %reduce_sum3A_323 [1] : vector<512x64xf32> to vector<512xf32>
    %broadcast_in_dim3A_325 = vector.shape_cast %reduce_sum3A_324 : vector<512xf32> to vector<512x1xf32>
    %div3A_326 = arith.constant 5.000000e+01 : f32
    %div3A_327 = vector.broadcast %div3A_326 : f32 to vector<512x1xf32>
    %div3A_328 = arith.divf %broadcast_in_dim3A_325, %div3A_327 : vector<512x1xf32>
    %sub3A_329 = arith.subf %broadcast_in_dim3A_322, %div3A_328 : vector<512x1xf32>
    %slice3A_330 = vector.extract_strided_slice %add3A_73 {offsets = [0, 640], sizes = [512, 64], strides = [1, 1]} : vector<512x1024xf32> to vector<512x64xf32>
    %get3A_331 = arith.constant 0 : index
    %get3A_332 = arith.constant 10 : index
    %get3A_333 = arith.constant 0 : index
    %get3A_334 = arith.constant 0 : index
    %get3A_335 = vector.load %arg8[%get3A_331, %get3A_332, %get3A_333, %get3A_334] : memref<1x16x64x64xf32, #tpu.memory_space<vmem>>, vector<1x1x64x64xf32>
    %get3A_336 = vector.shape_cast %get3A_335 : vector<1x1x64x64xf32> to vector<64x64xf32>
    %convert_element_type3A_337 = arith.truncf %slice3A_330 : vector<512x64xf32> to vector<512x64xbf16>
    %convert_element_type3A_338 = arith.truncf %get3A_336 : vector<64x64xf32> to vector<64x64xbf16>
    %dot_general3A_339 = arith.constant dense<0.000000e+00> : vector<512x64xf32>
    %dot_general3A_340 = tpu.matmul %convert_element_type3A_337, %convert_element_type3A_338, %dot_general3A_339 {dimension_numbers = #tpu.dot_dimension_numbers<[1], [0], [0], [1], [0, 0, 1, 1], [], []>, transpose_lhs_hint = false} : vector<512x64xbf16>, vector<64x64xbf16>, vector<512x64xf32> -> vector<512x64xf32>
    %jit3A_341 = arith.constant -1.000000e+30 : f32
    %broadcast_in_dim3A_342 = vector.shape_cast %ge3A_75 : vector<1x64xi1> to vector<1x64xi1>
    %broadcast_in_dim3A_343 = vector.broadcast %broadcast_in_dim3A_342 : vector<1x64xi1> to vector<512x64xi1>
    %broadcast_in_dim3A_344 = vector.broadcast %jit3A_341 : f32 to vector<512x64xf32>
    %select_n3A_345 = arith.select %broadcast_in_dim3A_343, %broadcast_in_dim3A_344, %dot_general3A_340 : vector<512x64xi1>, vector<512x64xf32>
    %reduce_max3A_346 = arith.constant dense<0xFF800000> : vector<512xf32>
    %reduce_max3A_347 = vector.multi_reduction <maximumf>, %select_n3A_345, %reduce_max3A_346 [1] : vector<512x64xf32> to vector<512xf32>
    %broadcast_in_dim3A_348 = vector.shape_cast %reduce_max3A_347 : vector<512xf32> to vector<512x1xf32>
    %reduce_sum3A_349 = arith.constant dense<0.000000e+00> : vector<512xf32>
    %reduce_sum3A_350 = vector.multi_reduction <add>, %dot_general3A_340, %reduce_sum3A_349 [1] : vector<512x64xf32> to vector<512xf32>
    %broadcast_in_dim3A_351 = vector.shape_cast %reduce_sum3A_350 : vector<512xf32> to vector<512x1xf32>
    %div3A_352 = arith.constant 5.000000e+01 : f32
    %div3A_353 = vector.broadcast %div3A_352 : f32 to vector<512x1xf32>
    %div3A_354 = arith.divf %broadcast_in_dim3A_351, %div3A_353 : vector<512x1xf32>
    %sub3A_355 = arith.subf %broadcast_in_dim3A_348, %div3A_354 : vector<512x1xf32>
    %slice3A_356 = vector.extract_strided_slice %add3A_73 {offsets = [0, 704], sizes = [512, 64], strides = [1, 1]} : vector<512x1024xf32> to vector<512x64xf32>
    %get3A_357 = arith.constant 0 : index
    %get3A_358 = arith.constant 11 : index
    %get3A_359 = arith.constant 0 : index
    %get3A_360 = arith.constant 0 : index
    %get3A_361 = vector.load %arg8[%get3A_357, %get3A_358, %get3A_359, %get3A_360] : memref<1x16x64x64xf32, #tpu.memory_space<vmem>>, vector<1x1x64x64xf32>
    %get3A_362 = vector.shape_cast %get3A_361 : vector<1x1x64x64xf32> to vector<64x64xf32>
    %convert_element_type3A_363 = arith.truncf %slice3A_356 : vector<512x64xf32> to vector<512x64xbf16>
    %convert_element_type3A_364 = arith.truncf %get3A_362 : vector<64x64xf32> to vector<64x64xbf16>
    %dot_general3A_365 = arith.constant dense<0.000000e+00> : vector<512x64xf32>
    %dot_general3A_366 = tpu.matmul %convert_element_type3A_363, %convert_element_type3A_364, %dot_general3A_365 {dimension_numbers = #tpu.dot_dimension_numbers<[1], [0], [0], [1], [0, 0, 1, 1], [], []>, transpose_lhs_hint = false} : vector<512x64xbf16>, vector<64x64xbf16>, vector<512x64xf32> -> vector<512x64xf32>
    %jit3A_367 = arith.constant -1.000000e+30 : f32
    %broadcast_in_dim3A_368 = vector.shape_cast %ge3A_75 : vector<1x64xi1> to vector<1x64xi1>
    %broadcast_in_dim3A_369 = vector.broadcast %broadcast_in_dim3A_368 : vector<1x64xi1> to vector<512x64xi1>
    %broadcast_in_dim3A_370 = vector.broadcast %jit3A_367 : f32 to vector<512x64xf32>
    %select_n3A_371 = arith.select %broadcast_in_dim3A_369, %broadcast_in_dim3A_370, %dot_general3A_366 : vector<512x64xi1>, vector<512x64xf32>
    %reduce_max3A_372 = arith.constant dense<0xFF800000> : vector<512xf32>
    %reduce_max3A_373 = vector.multi_reduction <maximumf>, %select_n3A_371, %reduce_max3A_372 [1] : vector<512x64xf32> to vector<512xf32>
    %broadcast_in_dim3A_374 = vector.shape_cast %reduce_max3A_373 : vector<512xf32> to vector<512x1xf32>
    %reduce_sum3A_375 = arith.constant dense<0.000000e+00> : vector<512xf32>
    %reduce_sum3A_376 = vector.multi_reduction <add>, %dot_general3A_366, %reduce_sum3A_375 [1] : vector<512x64xf32> to vector<512xf32>
    %broadcast_in_dim3A_377 = vector.shape_cast %reduce_sum3A_376 : vector<512xf32> to vector<512x1xf32>
    %div3A_378 = arith.constant 5.000000e+01 : f32
    %div3A_379 = vector.broadcast %div3A_378 : f32 to vector<512x1xf32>
    %div3A_380 = arith.divf %broadcast_in_dim3A_377, %div3A_379 : vector<512x1xf32>
    %sub3A_381 = arith.subf %broadcast_in_dim3A_374, %div3A_380 : vector<512x1xf32>
    %slice3A_382 = vector.extract_strided_slice %add3A_73 {offsets = [0, 768], sizes = [512, 64], strides = [1, 1]} : vector<512x1024xf32> to vector<512x64xf32>
    %get3A_383 = arith.constant 0 : index
    %get3A_384 = arith.constant 12 : index
    %get3A_385 = arith.constant 0 : index
    %get3A_386 = arith.constant 0 : index
    %get3A_387 = vector.load %arg8[%get3A_383, %get3A_384, %get3A_385, %get3A_386] : memref<1x16x64x64xf32, #tpu.memory_space<vmem>>, vector<1x1x64x64xf32>
    %get3A_388 = vector.shape_cast %get3A_387 : vector<1x1x64x64xf32> to vector<64x64xf32>
    %convert_element_type3A_389 = arith.truncf %slice3A_382 : vector<512x64xf32> to vector<512x64xbf16>
    %convert_element_type3A_390 = arith.truncf %get3A_388 : vector<64x64xf32> to vector<64x64xbf16>
    %dot_general3A_391 = arith.constant dense<0.000000e+00> : vector<512x64xf32>
    %dot_general3A_392 = tpu.matmul %convert_element_type3A_389, %convert_element_type3A_390, %dot_general3A_391 {dimension_numbers = #tpu.dot_dimension_numbers<[1], [0], [0], [1], [0, 0, 1, 1], [], []>, transpose_lhs_hint = false} : vector<512x64xbf16>, vector<64x64xbf16>, vector<512x64xf32> -> vector<512x64xf32>
    %jit3A_393 = arith.constant -1.000000e+30 : f32
    %broadcast_in_dim3A_394 = vector.shape_cast %ge3A_75 : vector<1x64xi1> to vector<1x64xi1>
    %broadcast_in_dim3A_395 = vector.broadcast %broadcast_in_dim3A_394 : vector<1x64xi1> to vector<512x64xi1>
    %broadcast_in_dim3A_396 = vector.broadcast %jit3A_393 : f32 to vector<512x64xf32>
    %select_n3A_397 = arith.select %broadcast_in_dim3A_395, %broadcast_in_dim3A_396, %dot_general3A_392 : vector<512x64xi1>, vector<512x64xf32>
    %reduce_max3A_398 = arith.constant dense<0xFF800000> : vector<512xf32>
    %reduce_max3A_399 = vector.multi_reduction <maximumf>, %select_n3A_397, %reduce_max3A_398 [1] : vector<512x64xf32> to vector<512xf32>
    %broadcast_in_dim3A_400 = vector.shape_cast %reduce_max3A_399 : vector<512xf32> to vector<512x1xf32>
    %reduce_sum3A_401 = arith.constant dense<0.000000e+00> : vector<512xf32>
    %reduce_sum3A_402 = vector.multi_reduction <add>, %dot_general3A_392, %reduce_sum3A_401 [1] : vector<512x64xf32> to vector<512xf32>
    %broadcast_in_dim3A_403 = vector.shape_cast %reduce_sum3A_402 : vector<512xf32> to vector<512x1xf32>
    %div3A_404 = arith.constant 5.000000e+01 : f32
    %div3A_405 = vector.broadcast %div3A_404 : f32 to vector<512x1xf32>
    %div3A_406 = arith.divf %broadcast_in_dim3A_403, %div3A_405 : vector<512x1xf32>
    %sub3A_407 = arith.subf %broadcast_in_dim3A_400, %div3A_406 : vector<512x1xf32>
    %slice3A_408 = vector.extract_strided_slice %add3A_73 {offsets = [0, 832], sizes = [512, 64], strides = [1, 1]} : vector<512x1024xf32> to vector<512x64xf32>
    %get3A_409 = arith.constant 0 : index
    %get3A_410 = arith.constant 13 : index
    %get3A_411 = arith.constant 0 : index
    %get3A_412 = arith.constant 0 : index
    %get3A_413 = vector.load %arg8[%get3A_409, %get3A_410, %get3A_411, %get3A_412] : memref<1x16x64x64xf32, #tpu.memory_space<vmem>>, vector<1x1x64x64xf32>
    %get3A_414 = vector.shape_cast %get3A_413 : vector<1x1x64x64xf32> to vector<64x64xf32>
    %convert_element_type3A_415 = arith.truncf %slice3A_408 : vector<512x64xf32> to vector<512x64xbf16>
    %convert_element_type3A_416 = arith.truncf %get3A_414 : vector<64x64xf32> to vector<64x64xbf16>
    %dot_general3A_417 = arith.constant dense<0.000000e+00> : vector<512x64xf32>
    %dot_general3A_418 = tpu.matmul %convert_element_type3A_415, %convert_element_type3A_416, %dot_general3A_417 {dimension_numbers = #tpu.dot_dimension_numbers<[1], [0], [0], [1], [0, 0, 1, 1], [], []>, transpose_lhs_hint = false} : vector<512x64xbf16>, vector<64x64xbf16>, vector<512x64xf32> -> vector<512x64xf32>
    %jit3A_419 = arith.constant -1.000000e+30 : f32
    %broadcast_in_dim3A_420 = vector.shape_cast %ge3A_75 : vector<1x64xi1> to vector<1x64xi1>
    %broadcast_in_dim3A_421 = vector.broadcast %broadcast_in_dim3A_420 : vector<1x64xi1> to vector<512x64xi1>
    %broadcast_in_dim3A_422 = vector.broadcast %jit3A_419 : f32 to vector<512x64xf32>
    %select_n3A_423 = arith.select %broadcast_in_dim3A_421, %broadcast_in_dim3A_422, %dot_general3A_418 : vector<512x64xi1>, vector<512x64xf32>
    %reduce_max3A_424 = arith.constant dense<0xFF800000> : vector<512xf32>
    %reduce_max3A_425 = vector.multi_reduction <maximumf>, %select_n3A_423, %reduce_max3A_424 [1] : vector<512x64xf32> to vector<512xf32>
    %broadcast_in_dim3A_426 = vector.shape_cast %reduce_max3A_425 : vector<512xf32> to vector<512x1xf32>
    %reduce_sum3A_427 = arith.constant dense<0.000000e+00> : vector<512xf32>
    %reduce_sum3A_428 = vector.multi_reduction <add>, %dot_general3A_418, %reduce_sum3A_427 [1] : vector<512x64xf32> to vector<512xf32>
    %broadcast_in_dim3A_429 = vector.shape_cast %reduce_sum3A_428 : vector<512xf32> to vector<512x1xf32>
    %div3A_430 = arith.constant 5.000000e+01 : f32
    %div3A_431 = vector.broadcast %div3A_430 : f32 to vector<512x1xf32>
    %div3A_432 = arith.divf %broadcast_in_dim3A_429, %div3A_431 : vector<512x1xf32>
    %sub3A_433 = arith.subf %broadcast_in_dim3A_426, %div3A_432 : vector<512x1xf32>
    %slice3A_434 = vector.extract_strided_slice %add3A_73 {offsets = [0, 896], sizes = [512, 64], strides = [1, 1]} : vector<512x1024xf32> to vector<512x64xf32>
    %get3A_435 = arith.constant 0 : index
    %get3A_436 = arith.constant 14 : index
    %get3A_437 = arith.constant 0 : index
    %get3A_438 = arith.constant 0 : index
    %get3A_439 = vector.load %arg8[%get3A_435, %get3A_436, %get3A_437, %get3A_438] : memref<1x16x64x64xf32, #tpu.memory_space<vmem>>, vector<1x1x64x64xf32>
    %get3A_440 = vector.shape_cast %get3A_439 : vector<1x1x64x64xf32> to vector<64x64xf32>
    %convert_element_type3A_441 = arith.truncf %slice3A_434 : vector<512x64xf32> to vector<512x64xbf16>
    %convert_element_type3A_442 = arith.truncf %get3A_440 : vector<64x64xf32> to vector<64x64xbf16>
    %dot_general3A_443 = arith.constant dense<0.000000e+00> : vector<512x64xf32>
    %dot_general3A_444 = tpu.matmul %convert_element_type3A_441, %convert_element_type3A_442, %dot_general3A_443 {dimension_numbers = #tpu.dot_dimension_numbers<[1], [0], [0], [1], [0, 0, 1, 1], [], []>, transpose_lhs_hint = false} : vector<512x64xbf16>, vector<64x64xbf16>, vector<512x64xf32> -> vector<512x64xf32>
    %jit3A_445 = arith.constant -1.000000e+30 : f32
    %broadcast_in_dim3A_446 = vector.shape_cast %ge3A_75 : vector<1x64xi1> to vector<1x64xi1>
    %broadcast_in_dim3A_447 = vector.broadcast %broadcast_in_dim3A_446 : vector<1x64xi1> to vector<512x64xi1>
    %broadcast_in_dim3A_448 = vector.broadcast %jit3A_445 : f32 to vector<512x64xf32>
    %select_n3A_449 = arith.select %broadcast_in_dim3A_447, %broadcast_in_dim3A_448, %dot_general3A_444 : vector<512x64xi1>, vector<512x64xf32>
    %reduce_max3A_450 = arith.constant dense<0xFF800000> : vector<512xf32>
    %reduce_max3A_451 = vector.multi_reduction <maximumf>, %select_n3A_449, %reduce_max3A_450 [1] : vector<512x64xf32> to vector<512xf32>
    %broadcast_in_dim3A_452 = vector.shape_cast %reduce_max3A_451 : vector<512xf32> to vector<512x1xf32>
    %reduce_sum3A_453 = arith.constant dense<0.000000e+00> : vector<512xf32>
    %reduce_sum3A_454 = vector.multi_reduction <add>, %dot_general3A_444, %reduce_sum3A_453 [1] : vector<512x64xf32> to vector<512xf32>
    %broadcast_in_dim3A_455 = vector.shape_cast %reduce_sum3A_454 : vector<512xf32> to vector<512x1xf32>
    %div3A_456 = arith.constant 5.000000e+01 : f32
    %div3A_457 = vector.broadcast %div3A_456 : f32 to vector<512x1xf32>
    %div3A_458 = arith.divf %broadcast_in_dim3A_455, %div3A_457 : vector<512x1xf32>
    %sub3A_459 = arith.subf %broadcast_in_dim3A_452, %div3A_458 : vector<512x1xf32>
    %slice3A_460 = vector.extract_strided_slice %add3A_73 {offsets = [0, 960], sizes = [512, 64], strides = [1, 1]} : vector<512x1024xf32> to vector<512x64xf32>
    %get3A_461 = arith.constant 0 : index
    %get3A_462 = arith.constant 15 : index
    %get3A_463 = arith.constant 0 : index
    %get3A_464 = arith.constant 0 : index
    %get3A_465 = vector.load %arg8[%get3A_461, %get3A_462, %get3A_463, %get3A_464] : memref<1x16x64x64xf32, #tpu.memory_space<vmem>>, vector<1x1x64x64xf32>
    %get3A_466 = vector.shape_cast %get3A_465 : vector<1x1x64x64xf32> to vector<64x64xf32>
    %convert_element_type3A_467 = arith.truncf %slice3A_460 : vector<512x64xf32> to vector<512x64xbf16>
    %convert_element_type3A_468 = arith.truncf %get3A_466 : vector<64x64xf32> to vector<64x64xbf16>
    %dot_general3A_469 = arith.constant dense<0.000000e+00> : vector<512x64xf32>
    %dot_general3A_470 = tpu.matmul %convert_element_type3A_467, %convert_element_type3A_468, %dot_general3A_469 {dimension_numbers = #tpu.dot_dimension_numbers<[1], [0], [0], [1], [0, 0, 1, 1], [], []>, transpose_lhs_hint = false} : vector<512x64xbf16>, vector<64x64xbf16>, vector<512x64xf32> -> vector<512x64xf32>
    %jit3A_471 = arith.constant -1.000000e+30 : f32
    %broadcast_in_dim3A_472 = vector.shape_cast %ge3A_75 : vector<1x64xi1> to vector<1x64xi1>
    %broadcast_in_dim3A_473 = vector.broadcast %broadcast_in_dim3A_472 : vector<1x64xi1> to vector<512x64xi1>
    %broadcast_in_dim3A_474 = vector.broadcast %jit3A_471 : f32 to vector<512x64xf32>
    %select_n3A_475 = arith.select %broadcast_in_dim3A_473, %broadcast_in_dim3A_474, %dot_general3A_470 : vector<512x64xi1>, vector<512x64xf32>
    %reduce_max3A_476 = arith.constant dense<0xFF800000> : vector<512xf32>
    %reduce_max3A_477 = vector.multi_reduction <maximumf>, %select_n3A_475, %reduce_max3A_476 [1] : vector<512x64xf32> to vector<512xf32>
    %broadcast_in_dim3A_478 = vector.shape_cast %reduce_max3A_477 : vector<512xf32> to vector<512x1xf32>
    %reduce_sum3A_479 = arith.constant dense<0.000000e+00> : vector<512xf32>
    %reduce_sum3A_480 = vector.multi_reduction <add>, %dot_general3A_470, %reduce_sum3A_479 [1] : vector<512x64xf32> to vector<512xf32>
    %broadcast_in_dim3A_481 = vector.shape_cast %reduce_sum3A_480 : vector<512xf32> to vector<512x1xf32>
    %div3A_482 = arith.constant 5.000000e+01 : f32
    %div3A_483 = vector.broadcast %div3A_482 : f32 to vector<512x1xf32>
    %div3A_484 = arith.divf %broadcast_in_dim3A_481, %div3A_483 : vector<512x1xf32>
    %sub3A_485 = arith.subf %broadcast_in_dim3A_478, %div3A_484 : vector<512x1xf32>
    %concatenate3A = tpu.concatenate %sub3A, %sub3A_121, %sub3A_147, %sub3A_173, %sub3A_199, %sub3A_225, %sub3A_251, %sub3A_277, %sub3A_303, %sub3A_329, %sub3A_355, %sub3A_381, %sub3A_407, %sub3A_433, %sub3A_459, %sub3A_485 in 1 : vector<512x1xf32>, vector<512x1xf32>, vector<512x1xf32>, vector<512x1xf32>, vector<512x1xf32>, vector<512x1xf32>, vector<512x1xf32>, vector<512x1xf32>, vector<512x1xf32>, vector<512x1xf32>, vector<512x1xf32>, vector<512x1xf32>, vector<512x1xf32>, vector<512x1xf32>, vector<512x1xf32>, vector<512x1xf32> -> vector<512x16xf32>
    %swap3A_486 = arith.constant 0 : index
    %swap3A_487 = arith.constant 0 : index
    %swap3A_488 = arith.constant 0 : index
    %swap3A_489 = vector.load %arg15[%swap3A_486, %swap3A_487, %swap3A_488] : memref<1x512x16xf32, #tpu.memory_space<vmem>>, vector<1x512x16xf32>
    %swap3A_490 = vector.shape_cast %swap3A_489 : vector<1x512x16xf32> to vector<512x16xf32>
    %swap3A_491 = vector.shape_cast %concatenate3A : vector<512x16xf32> to vector<1x512x16xf32>
    tpu.vector_store %arg15[%swap3A_486, %swap3A_487, %swap3A_488], %swap3A_491 {strides = array<i32>} : memref<1x512x16xf32, #tpu.memory_space<vmem>>, vector<1x512x16xf32>,
    return
  }
  func.func @transform_0(%arg0: i32, %arg1: i32) -> (i32, i32, i32) {
    %c0_i32 = arith.constant 0 : i32
    %c0_i32_0 = arith.constant 0 : i32
    return %arg0, %arg1, %c0_i32 : i32, i32, i32
  }
  func.func @transform_1(%arg0: i32, %arg1: i32) -> (i32, i32, i32) {
    %c0_i32 = arith.constant 0 : i32
    %c0_i32_0 = arith.constant 0 : i32
    return %arg0, %arg1, %c0_i32 : i32, i32, i32
  }
  func.func @transform_2(%arg0: i32, %arg1: i32) -> (i32, i32, i32) {
    %c0_i32 = arith.constant 0 : i32
    %c0_i32_0 = arith.constant 0 : i32
    return %arg0, %arg1, %c0_i32 : i32, i32, i32
  }
  func.func @transform_3(%arg0: i32, %arg1: i32) -> (i32, i32) {
    %c0_i32 = arith.constant 0 : i32
    %c0_i32_0 = arith.constant 0 : i32
    %c0_i32_1 = arith.constant 0 : i32
    return %c0_i32, %c0_i32_0 : i32, i32
  }
  func.func @transform_4(%arg0: i32, %arg1: i32) -> (i32, i32) {
    %c0_i32 = arith.constant 0 : i32
    %c0_i32_0 = arith.constant 0 : i32
    %c0_i32_1 = arith.constant 0 : i32
    return %c0_i32, %c0_i32_0 : i32, i32
  }
  func.func @transform_5(%arg0: i32, %arg1: i32) -> (i32, i32) {
    %c0_i32 = arith.constant 0 : i32
    %c0_i32_0 = arith.constant 0 : i32
    %c0_i32_1 = arith.constant 0 : i32
    return %c0_i32, %c0_i32_0 : i32, i32
  }
  func.func @transform_6(%arg0: i32, %arg1: i32) -> (i32, i32, i32, i32) {
    %c0_i32 = arith.constant 0 : i32
    %c0_i32_0 = arith.constant 0 : i32
    %c0_i32_1 = arith.constant 0 : i32
    %c0_i32_2 = arith.constant 0 : i32
    return %arg0, %c0_i32, %c0_i32_0, %c0_i32_1 : i32, i32, i32, i32
  }
  func.func @transform_7(%arg0: i32, %arg1: i32) -> (i32, i32) {
    %c0_i32 = arith.constant 0 : i32
    %c0_i32_0 = arith.constant 0 : i32
    %c0_i32_1 = arith.constant 0 : i32
    return %c0_i32, %c0_i32_0 : i32, i32
  }
  func.func @transform_8(%arg0: i32, %arg1: i32) -> (i32, i32) {
    %c0_i32 = arith.constant 0 : i32
    %c0_i32_0 = arith.constant 0 : i32
    %c0_i32_1 = arith.constant 0 : i32
    return %c0_i32, %c0_i32_0 : i32, i32
  }
  func.func @transform_9(%arg0: i32, %arg1: i32) -> (i32, i32) {
    %c0_i32 = arith.constant 0 : i32
    %c0_i32_0 = arith.constant 0 : i32
    %c0_i32_1 = arith.constant 0 : i32
    return %c0_i32, %c0_i32_0 : i32, i32
  }
  func.func @transform_10(%arg0: i32, %arg1: i32) -> (i32, i32, i32) {
    %c0_i32 = arith.constant 0 : i32
    %c0_i32_0 = arith.constant 0 : i32
    return %arg0, %arg1, %c0_i32 : i32, i32, i32
  }
  func.func @transform_11(%arg0: i32, %arg1: i32) -> (i32, i32, i32) {
    %c0_i32 = arith.constant 0 : i32
    %c0_i32_0 = arith.constant 0 : i32
    return %arg0, %arg1, %c0_i32 : i32, i32, i32
  }
  func.func @transform_12(%arg0: i32, %arg1: i32) -> (i32, i32, i32) {
    %c0_i32 = arith.constant 0 : i32
    %c0_i32_0 = arith.constant 0 : i32
    %c0_i32_1 = arith.constant 0 : i32
    return %arg0, %c0_i32, %c0_i32_0 : i32, i32, i32
  }
  func.func @transform_13(%arg0: i32, %arg1: i32) -> (i32, i32, i32) {
    %c0_i32 = arith.constant 0 : i32
    %c0_i32_0 = arith.constant 0 : i32
    return %arg0, %arg1, %c0_i32 : i32, i32, i32
  }
}

module attributes {stable_mosaic.version = 14 : i64} {
  func.func @_topk_kernel(%arg0: i32, %arg1: memref<1x16x8192xf32, #tpu.memory_space<vmem>>, %arg2: memref<1x16x128xi32, #tpu.memory_space<vmem>>) attributes {dimension_semantics = [#tpu.dimension_semantics<arbitrary>], iteration_bounds = array<i64: 4>, scalar_prefetch = 0 : i64, scratch_operands = 0 : i64, tpu.core_type = #tpu.core_type<tc>, window_params = [{transform_indices = @transform_0, window_bounds = array<i64: 1, 16, 8192>}, {transform_indices = @transform_1, window_bounds = array<i64: 1, 16, 128>}]} {
    %iota3A = tpu.iota {dimensions = array<i32: 1>} : vector<16x8192xi32>
    %iota3A_0 = tpu.iota {dimensions = array<i32: 1>} : vector<16x128xi32>
    %broadcast_in_dim3A = arith.constant 0 : i32
    %broadcast_in_dim3A_1 = vector.broadcast %broadcast_in_dim3A : i32 to vector<16x128xi32>
    %get3A = arith.constant 0 : index
    %get3A_2 = arith.constant 0 : index
    %get3A_3 = arith.constant 0 : index
    %get3A_4 = vector.load %arg1[%get3A, %get3A_2, %get3A_3] : memref<1x16x8192xf32, #tpu.memory_space<vmem>>, vector<1x16x8192xf32>
    %get3A_5 = vector.shape_cast %get3A_4 : vector<1x16x8192xf32> to vector<16x8192xf32>
    %scan3A = arith.constant 0 : i32
    %scan3A_6 = arith.constant 50 : i32
    %scan3A_7 = arith.addi %scan3A, %scan3A_6 : i32
    %scan3A_8 = arith.constant 1 : i32
    %scan3A_9:2 = scf.for %scan3A_16 = %scan3A to %scan3A_7 step %scan3A_8 iter_args(%scan3A_17 = %get3A_5, %scan3A_18 = %broadcast_in_dim3A_1) -> (vector<16x8192xf32>, vector<16x128xi32>)  : i32 {
      %reduce_max3A = arith.constant dense<0xFF800000> : vector<16xf32>
      %reduce_max3A_19 = vector.multi_reduction <maximumf>, %scan3A_17, %reduce_max3A [1] : vector<16x8192xf32> to vector<16xf32>
      %broadcast_in_dim3A_20 = vector.shape_cast %reduce_max3A_19 : vector<16xf32> to vector<16x1xf32>
      %ge3A = vector.broadcast %broadcast_in_dim3A_20 : vector<16x1xf32> to vector<16x8192xf32>
      %ge3A_21 = arith.cmpf oge, %scan3A_17, %ge3A : vector<16x8192xf32>
      %jit3A = arith.constant 8192 : i32
      %broadcast_in_dim3A_22 = vector.broadcast %jit3A : i32 to vector<16x8192xi32>
      %select_n3A = arith.select %ge3A_21, %iota3A, %broadcast_in_dim3A_22 : vector<16x8192xi1>, vector<16x8192xi32>
      %reduce_min3A = arith.constant dense<2147483647> : vector<16xi32>
      %reduce_min3A_23 = vector.multi_reduction <minsi>, %select_n3A, %reduce_min3A [1] : vector<16x8192xi32> to vector<16xi32>
      %broadcast_in_dim3A_24 = vector.shape_cast %reduce_min3A_23 : vector<16xi32> to vector<16x1xi32>
      %eq3A = vector.broadcast %scan3A_16 : i32 to vector<16x128xi32>
      %eq3A_25 = arith.cmpi eq, %iota3A_0, %eq3A : vector<16x128xi32>
      %broadcast_in_dim3A_26 = vector.shape_cast %broadcast_in_dim3A_24 : vector<16x1xi32> to vector<16x1xi32>
      %broadcast_in_dim3A_27 = vector.broadcast %broadcast_in_dim3A_26 : vector<16x1xi32> to vector<16x128xi32>
      %select_n3A_28 = arith.select %eq3A_25, %broadcast_in_dim3A_27, %scan3A_18 : vector<16x128xi1>, vector<16x128xi32>
      %eq3A_29 = vector.broadcast %broadcast_in_dim3A_24 : vector<16x1xi32> to vector<16x8192xi32>
      %eq3A_30 = arith.cmpi eq, %iota3A, %eq3A_29 : vector<16x8192xi32>
      %jit3A_31 = arith.constant -1.000000e+30 : f32
      %broadcast_in_dim3A_32 = vector.broadcast %jit3A_31 : f32 to vector<16x8192xf32>
      %select_n3A_33 = arith.select %eq3A_30, %broadcast_in_dim3A_32, %scan3A_17 : vector<16x8192xi1>, vector<16x8192xf32>
      scf.yield %select_n3A_33, %select_n3A_28 : vector<16x8192xf32>, vector<16x128xi32>
    }
    %scan3A_10 = arith.constant 50 : i32
    %swap3A = arith.constant 0 : index
    %swap3A_11 = arith.constant 0 : index
    %swap3A_12 = arith.constant 0 : index
    %swap3A_13 = vector.load %arg2[%swap3A, %swap3A_11, %swap3A_12] : memref<1x16x128xi32, #tpu.memory_space<vmem>>, vector<1x16x128xi32>
    %swap3A_14 = vector.shape_cast %swap3A_13 : vector<1x16x128xi32> to vector<16x128xi32>
    %swap3A_15 = vector.shape_cast %scan3A_9#1 : vector<16x128xi32> to vector<1x16x128xi32>
    tpu.vector_store %arg2[%swap3A, %swap3A_11, %swap3A_12], %swap3A_15 {strides = array<i32>} : memref<1x16x128xi32, #tpu.memory_space<vmem>>, vector<1x16x128xi32>,
    return
  }
  func.func @transform_0(%arg0: i32) -> (i32, i32, i32) {
    %c0_i32 = arith.constant 0 : i32
    %c0_i32_0 = arith.constant 0 : i32
    %c0_i32_1 = arith.constant 0 : i32
    return %arg0, %c0_i32, %c0_i32_0 : i32, i32, i32
  }
  func.func @transform_1(%arg0: i32) -> (i32, i32, i32) {
    %c0_i32 = arith.constant 0 : i32
    %c0_i32_0 = arith.constant 0 : i32
    %c0_i32_1 = arith.constant 0 : i32
    return %arg0, %c0_i32, %c0_i32_0 : i32, i32, i32
  }
}

module attributes {stable_mosaic.version = 14 : i64} {
  func.func @_attn_kernel(%arg0: i32, %arg1: i32, %arg2: memref<1x1x128x128xf32, #tpu.memory_space<vmem>>, %arg3: memref<1x8192x128xf32, #tpu.memory_space<vmem>>, %arg4: memref<1x8192x128xf32, #tpu.memory_space<vmem>>, %arg5: memref<1x2x50x8192xf32, #tpu.memory_space<vmem>>, %arg6: memref<1x2x64x64xf32, #tpu.memory_space<vmem>>) attributes {dimension_semantics = [#tpu.dimension_semantics<arbitrary>, #tpu.dimension_semantics<arbitrary>], iteration_bounds = array<i64: 4, 8>, scalar_prefetch = 0 : i64, scratch_operands = 0 : i64, tpu.core_type = #tpu.core_type<tc>, window_params = [{transform_indices = @transform_0, window_bounds = array<i64: 1, 1, 128, 128>}, {transform_indices = @transform_1, window_bounds = array<i64: 1, 8192, 128>}, {transform_indices = @transform_2, window_bounds = array<i64: 1, 8192, 128>}, {transform_indices = @transform_3, window_bounds = array<i64: 1, 2, 50, 8192>}, {transform_indices = @transform_4, window_bounds = array<i64: 1, 2, 64, 64>}]} {
    %get3A = arith.constant 0 : index
    %get3A_0 = arith.constant 0 : index
    %get3A_1 = arith.constant 0 : index
    %get3A_2 = arith.constant 0 : index
    %get3A_3 = vector.load %arg2[%get3A, %get3A_0, %get3A_1, %get3A_2] : memref<1x1x128x128xf32, #tpu.memory_space<vmem>>, vector<1x1x128x128xf32>
    %get3A_4 = vector.shape_cast %get3A_3 : vector<1x1x128x128xf32> to vector<128x128xf32>
    %get3A_5 = arith.constant 0 : index
    %get3A_6 = arith.constant 0 : index
    %get3A_7 = arith.constant 0 : index
    %get3A_8 = vector.load %arg3[%get3A_5, %get3A_6, %get3A_7] : memref<1x8192x128xf32, #tpu.memory_space<vmem>>, vector<1x8192x128xf32>
    %get3A_9 = vector.shape_cast %get3A_8 : vector<1x8192x128xf32> to vector<8192x128xf32>
    %convert_element_type3A = arith.truncf %get3A_4 : vector<128x128xf32> to vector<128x128xbf16>
    %convert_element_type3A_10 = arith.truncf %get3A_9 : vector<8192x128xf32> to vector<8192x128xbf16>
    %dot_general3A = arith.constant dense<0.000000e+00> : vector<128x8192xf32>
    %dot_general3A_11 = tpu.matmul %convert_element_type3A, %convert_element_type3A_10, %dot_general3A {dimension_numbers = #tpu.dot_dimension_numbers<[1], [1], [0], [0], [0, 0, 1, 0], [], []>, transpose_lhs_hint = false} : vector<128x128xbf16>, vector<8192x128xbf16>, vector<128x8192xf32> -> vector<128x8192xf32>
    %mul3A = arith.constant 1.250000e-01 : f32
    %mul3A_12 = vector.broadcast %mul3A : f32 to vector<128x8192xf32>
    %mul3A_13 = arith.mulf %dot_general3A_11, %mul3A_12 : vector<128x8192xf32>
    %reduce_max3A = arith.constant dense<0xFF800000> : vector<128xf32>
    %reduce_max3A_14 = vector.multi_reduction <maximumf>, %mul3A_13, %reduce_max3A [1] : vector<128x8192xf32> to vector<128xf32>
    %broadcast_in_dim3A = vector.shape_cast %reduce_max3A_14 : vector<128xf32> to vector<128x1xf32>
    %sub3A = vector.broadcast %broadcast_in_dim3A : vector<128x1xf32> to vector<128x8192xf32>
    %sub3A_15 = arith.subf %mul3A_13, %sub3A : vector<128x8192xf32>
    %exp3A = math.exp %sub3A_15 : vector<128x8192xf32>
    %reduce_sum3A = arith.constant dense<0.000000e+00> : vector<128xf32>
    %reduce_sum3A_16 = vector.multi_reduction <add>, %exp3A, %reduce_sum3A [1] : vector<128x8192xf32> to vector<128xf32>
    %broadcast_in_dim3A_17 = vector.shape_cast %reduce_sum3A_16 : vector<128xf32> to vector<128x1xf32>
    %div3A = vector.broadcast %broadcast_in_dim3A_17 : vector<128x1xf32> to vector<128x8192xf32>
    %div3A_18 = arith.divf %exp3A, %div3A : vector<128x8192xf32>
    %slice3A = vector.extract_strided_slice %div3A_18 {offsets = [0, 0], sizes = [50, 8192], strides = [1, 1]} : vector<128x8192xf32> to vector<50x8192xf32>
    %swap3A = arith.constant 0 : index
    %swap3A_19 = arith.constant 0 : index
    %swap3A_20 = arith.constant 0 : index
    %swap3A_21 = arith.constant 0 : index
    %swap3A_22 = vector.load %arg5[%swap3A, %swap3A_19, %swap3A_20, %swap3A_21] : memref<1x2x50x8192xf32, #tpu.memory_space<vmem>>, vector<1x1x50x8192xf32>
    %swap3A_23 = vector.shape_cast %swap3A_22 : vector<1x1x50x8192xf32> to vector<50x8192xf32>
    %swap3A_24 = vector.shape_cast %slice3A : vector<50x8192xf32> to vector<1x1x50x8192xf32>
    tpu.vector_store %arg5[%swap3A, %swap3A_19, %swap3A_20, %swap3A_21], %swap3A_24 {strides = array<i32>} : memref<1x2x50x8192xf32, #tpu.memory_space<vmem>>, vector<1x1x50x8192xf32>,
    %slice3A_25 = vector.extract_strided_slice %div3A_18 {offsets = [64, 0], sizes = [50, 8192], strides = [1, 1]} : vector<128x8192xf32> to vector<50x8192xf32>
    %swap3A_26 = arith.constant 0 : index
    %swap3A_27 = arith.constant 1 : index
    %swap3A_28 = arith.constant 0 : index
    %swap3A_29 = arith.constant 0 : index
    %swap3A_30 = vector.load %arg5[%swap3A_26, %swap3A_27, %swap3A_28, %swap3A_29] : memref<1x2x50x8192xf32, #tpu.memory_space<vmem>>, vector<1x1x50x8192xf32>
    %swap3A_31 = vector.shape_cast %swap3A_30 : vector<1x1x50x8192xf32> to vector<50x8192xf32>
    %swap3A_32 = vector.shape_cast %slice3A_25 : vector<50x8192xf32> to vector<1x1x50x8192xf32>
    tpu.vector_store %arg5[%swap3A_26, %swap3A_27, %swap3A_28, %swap3A_29], %swap3A_32 {strides = array<i32>} : memref<1x2x50x8192xf32, #tpu.memory_space<vmem>>, vector<1x1x50x8192xf32>,
    %get3A_33 = arith.constant 0 : index
    %get3A_34 = arith.constant 0 : index
    %get3A_35 = arith.constant 0 : index
    %get3A_36 = vector.load %arg4[%get3A_33, %get3A_34, %get3A_35] : memref<1x8192x128xf32, #tpu.memory_space<vmem>>, vector<1x8192x128xf32>
    %get3A_37 = vector.shape_cast %get3A_36 : vector<1x8192x128xf32> to vector<8192x128xf32>
    %convert_element_type3A_38 = arith.truncf %div3A_18 : vector<128x8192xf32> to vector<128x8192xbf16>
    %convert_element_type3A_39 = arith.truncf %get3A_37 : vector<8192x128xf32> to vector<8192x128xbf16>
    %dot_general3A_40 = arith.constant dense<0.000000e+00> : vector<128x128xf32>
    %dot_general3A_41 = tpu.matmul %convert_element_type3A_38, %convert_element_type3A_39, %dot_general3A_40 {dimension_numbers = #tpu.dot_dimension_numbers<[1], [0], [0], [1], [0, 0, 1, 1], [], []>, transpose_lhs_hint = false} : vector<128x8192xbf16>, vector<8192x128xbf16>, vector<128x128xf32> -> vector<128x128xf32>
    %slice3A_42 = vector.extract_strided_slice %dot_general3A_41 {offsets = [0, 0], sizes = [64, 64], strides = [1, 1]} : vector<128x128xf32> to vector<64x64xf32>
    %swap3A_43 = arith.constant 0 : index
    %swap3A_44 = arith.constant 0 : index
    %swap3A_45 = arith.constant 0 : index
    %swap3A_46 = arith.constant 0 : index
    %swap3A_47 = vector.load %arg6[%swap3A_43, %swap3A_44, %swap3A_45, %swap3A_46] : memref<1x2x64x64xf32, #tpu.memory_space<vmem>>, vector<1x1x64x64xf32>
    %swap3A_48 = vector.shape_cast %swap3A_47 : vector<1x1x64x64xf32> to vector<64x64xf32>
    %swap3A_49 = vector.shape_cast %slice3A_42 : vector<64x64xf32> to vector<1x1x64x64xf32>
    tpu.vector_store %arg6[%swap3A_43, %swap3A_44, %swap3A_45, %swap3A_46], %swap3A_49 {strides = array<i32>} : memref<1x2x64x64xf32, #tpu.memory_space<vmem>>, vector<1x1x64x64xf32>,
    %slice3A_50 = vector.extract_strided_slice %dot_general3A_41 {offsets = [64, 64], sizes = [64, 64], strides = [1, 1]} : vector<128x128xf32> to vector<64x64xf32>
    %swap3A_51 = arith.constant 0 : index
    %swap3A_52 = arith.constant 1 : index
    %swap3A_53 = arith.constant 0 : index
    %swap3A_54 = arith.constant 0 : index
    %swap3A_55 = vector.load %arg6[%swap3A_51, %swap3A_52, %swap3A_53, %swap3A_54] : memref<1x2x64x64xf32, #tpu.memory_space<vmem>>, vector<1x1x64x64xf32>
    %swap3A_56 = vector.shape_cast %swap3A_55 : vector<1x1x64x64xf32> to vector<64x64xf32>
    %swap3A_57 = vector.shape_cast %slice3A_50 : vector<64x64xf32> to vector<1x1x64x64xf32>
    tpu.vector_store %arg6[%swap3A_51, %swap3A_52, %swap3A_53, %swap3A_54], %swap3A_57 {strides = array<i32>} : memref<1x2x64x64xf32, #tpu.memory_space<vmem>>, vector<1x1x64x64xf32>,
    return
  }
  func.func @transform_0(%arg0: i32, %arg1: i32) -> (i32, i32, i32, i32) {
    %c0_i32 = arith.constant 0 : i32
    %c0_i32_0 = arith.constant 0 : i32
    %c0_i32_1 = arith.constant 0 : i32
    return %arg0, %arg1, %c0_i32, %c0_i32_0 : i32, i32, i32, i32
  }
  func.func @transform_1(%arg0: i32, %arg1: i32) -> (i32, i32, i32) {
    %c0_i32 = arith.constant 0 : i32
    %c0_i32_0 = arith.constant 0 : i32
    return %arg0, %c0_i32, %arg1 : i32, i32, i32
  }
  func.func @transform_2(%arg0: i32, %arg1: i32) -> (i32, i32, i32) {
    %c0_i32 = arith.constant 0 : i32
    %c0_i32_0 = arith.constant 0 : i32
    return %arg0, %c0_i32, %arg1 : i32, i32, i32
  }
  func.func @transform_3(%arg0: i32, %arg1: i32) -> (i32, i32, i32, i32) {
    %c0_i32 = arith.constant 0 : i32
    %c0_i32_0 = arith.constant 0 : i32
    %c0_i32_1 = arith.constant 0 : i32
    return %arg0, %arg1, %c0_i32, %c0_i32_0 : i32, i32, i32, i32
  }
  func.func @transform_4(%arg0: i32, %arg1: i32) -> (i32, i32, i32, i32) {
    %c0_i32 = arith.constant 0 : i32
    %c0_i32_0 = arith.constant 0 : i32
    %c0_i32_1 = arith.constant 0 : i32
    return %arg0, %arg1, %c0_i32, %c0_i32_0 : i32, i32, i32, i32
  }
}

module attributes {stable_mosaic.version = 14 : i64} {
  func.func @_output_kernel(%arg0: i32, %arg1: i32, %arg2: memref<3200xi32, #tpu.memory_space<smem>>, %arg3: memref<3200xi32, #tpu.memory_space<smem>>, %arg4: memref<20xi32, #tpu.memory_space<smem>>, %arg5: memref<1x1x1024xf32, #tpu.memory_space<vmem>>, %arg6: memref<1x800x1024xf32, #tpu.memory_space<vmem>>, %arg7: memref<1x2048x1024xf32, #tpu.memory_space<vmem>>) attributes {dimension_semantics = [#tpu.dimension_semantics<arbitrary>, #tpu.dimension_semantics<arbitrary>], iteration_bounds = array<i64: 4, 4>, scalar_prefetch = 3 : i64, scratch_operands = 0 : i64, tpu.core_type = #tpu.core_type<tc>, window_params = [{transform_indices = @transform_0, window_bounds = array<i64: 1, 1, 1024>}, {transform_indices = @transform_1, window_bounds = array<i64: 1, 800, 1024>}, {transform_indices = @transform_2, window_bounds = array<i64: 1, 2048, 1024>}]} {
    %get3A = arith.constant 0 : index
    %get3A_0 = arith.constant 0 : index
    %get3A_1 = arith.constant 0 : index
    %get3A_2 = vector.load %arg5[%get3A, %get3A_0, %get3A_1] : memref<1x1x1024xf32, #tpu.memory_space<vmem>>, vector<1x1x1024xf32>
    %get3A_3 = vector.shape_cast %get3A_2 : vector<1x1x1024xf32> to vector<1x1024xf32>
    %broadcast_in_dim3A = vector.shape_cast %get3A_3 : vector<1x1024xf32> to vector<1x1024xf32>
    %broadcast_in_dim3A_4 = vector.broadcast %broadcast_in_dim3A : vector<1x1024xf32> to vector<2048x1024xf32>
    %swap3A = arith.constant 0 : index
    %swap3A_5 = arith.constant 0 : index
    %swap3A_6 = arith.constant 0 : index
    %swap3A_7 = vector.load %arg7[%swap3A, %swap3A_5, %swap3A_6] : memref<1x2048x1024xf32, #tpu.memory_space<vmem>>, vector<1x2048x1024xf32>
    %swap3A_8 = vector.shape_cast %swap3A_7 : vector<1x2048x1024xf32> to vector<2048x1024xf32>
    %swap3A_9 = vector.shape_cast %broadcast_in_dim3A_4 : vector<2048x1024xf32> to vector<1x2048x1024xf32>
    tpu.vector_store %arg7[%swap3A, %swap3A_5, %swap3A_6], %swap3A_9 {strides = array<i32>} : memref<1x2048x1024xf32, #tpu.memory_space<vmem>>, vector<1x2048x1024xf32>,
    %mul3A = arith.constant 5 : i32
    %mul3A_10 = arith.muli %arg0, %mul3A : i32
    %add3A = arith.addi %mul3A_10, %arg1 : i32
    %get3A_11 = arith.index_cast %add3A : i32 to index
    %get3A_12 = memref.load %arg4[%get3A_11] : memref<20xi32, #tpu.memory_space<smem>>
    %mul3A_13 = arith.constant 5 : i32
    %mul3A_14 = arith.muli %arg0, %mul3A_13 : i32
    %add3A_15 = arith.addi %mul3A_14, %arg1 : i32
    %add3A_16 = arith.constant 1 : i32
    %add3A_17 = arith.addi %add3A_15, %add3A_16 : i32
    %get3A_18 = arith.index_cast %add3A_17 : i32 to index
    %get3A_19 = memref.load %arg4[%get3A_18] : memref<20xi32, #tpu.memory_space<smem>>
    %while3A = arith.constant 0 : i32
    %while3A_20 = arith.subi %get3A_19, %get3A_12 : i32
    %while3A_21 = arith.addi %get3A_12, %while3A_20 : i32
    %while3A_22 = arith.constant 1 : i32
    %while3A_23 = arith.divsi %while3A_20, %while3A_22 : i32
    %while3A_24 = arith.muli %while3A_23, %while3A_22 : i32
    %while3A_25 = arith.addi %get3A_12, %while3A_24 : i32
    %while3A_26 = arith.constant 1 : i32
    scf.for %while3A_28 = %get3A_12 to %while3A_25 step %while3A_26  : i32 {
      %mul3A_29 = arith.constant 800 : i32
      %mul3A_30 = arith.muli %arg0, %mul3A_29 : i32
      %add3A_31 = arith.addi %mul3A_30, %while3A_28 : i32
      %get3A_32 = arith.index_cast %add3A_31 : i32 to index
      %get3A_33 = memref.load %arg2[%get3A_32] : memref<3200xi32, #tpu.memory_space<smem>>
      %mul3A_34 = arith.constant 2048 : i32
      %mul3A_35 = arith.muli %arg1, %mul3A_34 : i32
      %sub3A = arith.subi %get3A_33, %mul3A_35 : i32
      %mul3A_36 = arith.constant 800 : i32
      %mul3A_37 = arith.muli %arg0, %mul3A_36 : i32
      %add3A_38 = arith.addi %mul3A_37, %while3A_28 : i32
      %get3A_39 = arith.index_cast %add3A_38 : i32 to index
      %get3A_40 = memref.load %arg3[%get3A_39] : memref<3200xi32, #tpu.memory_space<smem>>
      %get3A_41 = arith.constant 0 : index
      %get3A_42 = arith.index_cast %sub3A : i32 to index
      %get3A_43 = arith.constant 0 : index
      %get3A_44 = vector.load %arg7[%get3A_41, %get3A_42, %get3A_43] : memref<1x2048x1024xf32, #tpu.memory_space<vmem>>, vector<1x1x1024xf32>
      %get3A_45 = vector.shape_cast %get3A_44 : vector<1x1x1024xf32> to vector<1x1024xf32>
      %get3A_46 = arith.constant 0 : index
      %get3A_47 = arith.index_cast %get3A_40 : i32 to index
      %get3A_48 = arith.constant 0 : index
      %get3A_49 = vector.load %arg6[%get3A_46, %get3A_47, %get3A_48] : memref<1x800x1024xf32, #tpu.memory_space<vmem>>, vector<1x1x1024xf32>
      %get3A_50 = vector.shape_cast %get3A_49 : vector<1x1x1024xf32> to vector<1x1024xf32>
      %add3A_51 = arith.addf %get3A_45, %get3A_50 : vector<1x1024xf32>
      %swap3A_52 = arith.constant 0 : index
      %swap3A_53 = arith.index_cast %sub3A : i32 to index
      %swap3A_54 = arith.constant 0 : index
      %swap3A_55 = vector.load %arg7[%swap3A_52, %swap3A_53, %swap3A_54] : memref<1x2048x1024xf32, #tpu.memory_space<vmem>>, vector<1x1x1024xf32>
      %swap3A_56 = vector.shape_cast %swap3A_55 : vector<1x1x1024xf32> to vector<1x1024xf32>
      %swap3A_57 = vector.shape_cast %add3A_51 : vector<1x1024xf32> to vector<1x1x1024xf32>
      tpu.vector_store %arg7[%swap3A_52, %swap3A_53, %swap3A_54], %swap3A_57 {strides = array<i32>} : memref<1x2048x1024xf32, #tpu.memory_space<vmem>>, vector<1x1x1024xf32>,
    }
    %while3A_27 = arith.constant 1 : i32
    scf.for %while3A_28 = %while3A_25 to %while3A_21 step %while3A_27  : i32 {
      %mul3A_29 = arith.constant 800 : i32
      %mul3A_30 = arith.muli %arg0, %mul3A_29 : i32
      %add3A_31 = arith.addi %mul3A_30, %while3A_28 : i32
      %get3A_32 = arith.index_cast %add3A_31 : i32 to index
      %get3A_33 = memref.load %arg2[%get3A_32] : memref<3200xi32, #tpu.memory_space<smem>>
      %mul3A_34 = arith.constant 2048 : i32
      %mul3A_35 = arith.muli %arg1, %mul3A_34 : i32
      %sub3A = arith.subi %get3A_33, %mul3A_35 : i32
      %mul3A_36 = arith.constant 800 : i32
      %mul3A_37 = arith.muli %arg0, %mul3A_36 : i32
      %add3A_38 = arith.addi %mul3A_37, %while3A_28 : i32
      %get3A_39 = arith.index_cast %add3A_38 : i32 to index
      %get3A_40 = memref.load %arg3[%get3A_39] : memref<3200xi32, #tpu.memory_space<smem>>
      %get3A_41 = arith.constant 0 : index
      %get3A_42 = arith.index_cast %sub3A : i32 to index
      %get3A_43 = arith.constant 0 : index
      %get3A_44 = vector.load %arg7[%get3A_41, %get3A_42, %get3A_43] : memref<1x2048x1024xf32, #tpu.memory_space<vmem>>, vector<1x1x1024xf32>
      %get3A_45 = vector.shape_cast %get3A_44 : vector<1x1x1024xf32> to vector<1x1024xf32>
      %get3A_46 = arith.constant 0 : index
      %get3A_47 = arith.index_cast %get3A_40 : i32 to index
      %get3A_48 = arith.constant 0 : index
      %get3A_49 = vector.load %arg6[%get3A_46, %get3A_47, %get3A_48] : memref<1x800x1024xf32, #tpu.memory_space<vmem>>, vector<1x1x1024xf32>
      %get3A_50 = vector.shape_cast %get3A_49 : vector<1x1x1024xf32> to vector<1x1024xf32>
      %add3A_51 = arith.addf %get3A_45, %get3A_50 : vector<1x1024xf32>
      %swap3A_52 = arith.constant 0 : index
      %swap3A_53 = arith.index_cast %sub3A : i32 to index
      %swap3A_54 = arith.constant 0 : index
      %swap3A_55 = vector.load %arg7[%swap3A_52, %swap3A_53, %swap3A_54] : memref<1x2048x1024xf32, #tpu.memory_space<vmem>>, vector<1x1x1024xf32>
      %swap3A_56 = vector.shape_cast %swap3A_55 : vector<1x1x1024xf32> to vector<1x1024xf32>
      %swap3A_57 = vector.shape_cast %add3A_51 : vector<1x1024xf32> to vector<1x1x1024xf32>
      tpu.vector_store %arg7[%swap3A_52, %swap3A_53, %swap3A_54], %swap3A_57 {strides = array<i32>} : memref<1x2048x1024xf32, #tpu.memory_space<vmem>>, vector<1x1x1024xf32>,
    }
    return
  }
  func.func @transform_0(%arg0: i32, %arg1: i32, %arg2: memref<3200xi32, #tpu.memory_space<smem>>, %arg3: memref<3200xi32, #tpu.memory_space<smem>>, %arg4: memref<20xi32, #tpu.memory_space<smem>>) -> (i32, i32, i32) {
    %c0_i32 = arith.constant 0 : i32
    %c0_i32_0 = arith.constant 0 : i32
    %c0_i32_1 = arith.constant 0 : i32
    return %arg0, %c0_i32, %c0_i32_0 : i32, i32, i32
  }
  func.func @transform_1(%arg0: i32, %arg1: i32, %arg2: memref<3200xi32, #tpu.memory_space<smem>>, %arg3: memref<3200xi32, #tpu.memory_space<smem>>, %arg4: memref<20xi32, #tpu.memory_space<smem>>) -> (i32, i32, i32) {
    %c0_i32 = arith.constant 0 : i32
    %c0_i32_0 = arith.constant 0 : i32
    %c0_i32_1 = arith.constant 0 : i32
    return %arg0, %c0_i32, %c0_i32_0 : i32, i32, i32
  }
  func.func @transform_2(%arg0: i32, %arg1: i32, %arg2: memref<3200xi32, #tpu.memory_space<smem>>, %arg3: memref<3200xi32, #tpu.memory_space<smem>>, %arg4: memref<20xi32, #tpu.memory_space<smem>>) -> (i32, i32, i32) {
    %c0_i32 = arith.constant 0 : i32
    %c0_i32_0 = arith.constant 0 : i32
    return %arg0, %arg1, %c0_i32 : i32, i32, i32
  }
}

</mosaic_0001>

<sc_bundles>
// kernel: gather_offload_async_start
scs
__scs_entry_jumppad:
0x0: {  	(pc) =	sbr.rel $0x88, $3  }
0x1: {  	(tag) =	ssettag $0x0;
	lr =	simm.s32 $0x1  }
0x2: {  	[smem:$0x3F96] =	sst lr;
	_ =	strace $0xD0000000  }
0x3: {  	_ = 	snop  }
0x4: {  	_ = 	snop  }
0x5: {  	_ = 	snop  }
0x6: {  	_ = 	snop  }
0x7: {  	_ = 	snop  }
__scs_overlays_trampoline_lowered:
0x8: {  	[smem:$0x3FA5] =	sst s0  }
0x9: {  	[smem:$0x3FA6] =	sst s1  }
0xa: {  	[smem:$0x3FA7] =	sst s2  }
0xb: {  	[smem:$0x3FA8] =	sst s3  }
0xc: {  	[smem:$0x3FA9] =	sst s4  }
0xd: {  	[smem:$0x3FAA] =	sst s5  }
0xe: {  	[smem:$0x3FAB] =	sst s6  }
0xf: {  	[smem:$0x3FAC] =	sst s7  }
0x10: {  	[smem:$0x3FAD] =	sst s8  }
0x11: {  	[smem:$0x3FAE] =	sst s9;
	s0 =	simm.s32 @!p0 $0x0  }
0x12: {  	s1 =	sld [smem:$0x3F94];
	s0 =	simm.s32 @p0 $0x1  }
0x13: {  	[smem:$0x3FAF] =	sst s0;
	s0 =	simm.s32 @!p1 $0x0  }
0x14: {  	s2 =	sld [smem:$0x3F93];
	s0 =	simm.s32 @p1 $0x1  }
0x15: {  	[smem:$0x3FB0] =	sst s0;
	s0 =	simm.s32 @!p2 $0x0  }
0x16: {  	s3 =	sld [smem:$0x3FDB];
	s0 =	simm.s32 @p2 $0x1  }
0x17: {  	s4 =	simm.s32 $0x1BF5;
	[smem:$0x3FB2] =	sst s0  }
0x18: {  	s0 =	sld [smem:$0x3F95];
	_ =	swait.ge [sflag:s4], $0x0  }
0x19: {  	s7 =	sld [smem:$0x3F96]  }
0x1a: {  	s8 =	sadd.s32 $0xFFFFE003, lr  }
0x1b: {  	s9 =	sadd.s32 $0xFFFFFEF7, lr;
	s5 =	simm.s32 $0xFFFFFFFF;
	p2 =	slt.u32 s8, $0xFFFFF086  }
0x1c: {  	p1 =	slt.u32 s9, $0xF7A;
	s5 =	simm.s32 @!p2 $0x0  }
0x1d: {  	s5 =	simm.s32 @p1 $0x1;
	p0 =	seq.s32 s7, s2  }
0x1e: {  	s7 =	smul.u32 @!p0 $0xF7A, s2;
	p2 =	seq.s32 @!p0 s5, $0x0  }
0x1f: {  	s9 =	smul.u32 $0xF7A, s1;
	s8 =	simm.s32 @!p0 $0x1BF5;
	p2 =	por !p2, p0  }
0x20: {  	[sflag:s8] =	ssyncset.s32 @!p0 $0xFFFFF086;
	s6 =	sadd.s32 @!p0 s3, s7;
	s7 =	simm.s32 @!p0 $0x108  }
0x21: {  	s3 =	sadd.s32 s3, s9;
	s6 =	sadd.s32 @!p0 $0x88, s6;
	s7 =	simm.s32 @p2 $0x1082  }
0x22: {  	[simem:s7], [sflag:s8] =	dma.local @!p0 [hbm:s6], $0xF7A  }
0x23: {  	s9 =	sor.u32 $0xD0000000, s2;
	s6 =	simm.s32 $0x108;
	_ =	swait.ge @!p0 [sflag:s8], $0x0  }
0x24: {  	s3 =	sadd.s32 $0x88, s3;
	s6 =	simm.s32 @!p1 $0x1082;
	[sflag:s4] =	ssyncset.s32 $0xFFFFF086  }
0x25: {  	[simem:s6], [sflag:s4] =	dma.local [hbm:s3], $0xF7A  }
0x26: {  	[smem:$0x3F96] =	sst s1;
	(tag) =	ssettag s2;
	_ =	strace s9  }
0x27: {  	s1 =	sld [smem:$0x3FA6]  }
0x28: {  	s2 =	sld [smem:$0x3FA7]  }
0x29: {  	s4 =	sld [smem:$0x3FA9]  }
0x2a: {  	p0 =	seq.s32 s5, $0x0;
	s5 =	sld [smem:$0x3FAA]  }
0x2b: {  	s6 =	sld [smem:$0x3FAB]  }
0x2c: {  	s7 =	sld [smem:$0x3FAC]  }
0x2d: {  	s3 =	simm.s32 $0x108;
	s8 =	sld [smem:$0x3FAD]  }
0x2e: {  	s3 =	simm.s32 @!p0 $0x1082;
	s9 =	sld [smem:$0x3FAE]  }
0x2f: {  	lr =	sadd.s32 s0, s3;
	s0 =	sld [smem:$0x3FA5]  }
0x30: {  	s3 =	sld [smem:$0x3FA8]  }
0x31: {  	[smem:$0x3FB1] =	sst s10  }
0x32: {  	s10 =	sld [smem:$0x3FAF];
	_ =	sdelay $0x3  }
0x33: {  	p0 =	seq.s32 s10, $0x1;
	s10 =	sld [smem:$0x3FB1];
	_ =	sdelay $0x3  }
0x34: {  	[smem:$0x3FB1] =	sst s10  }
0x35: {  	s10 =	sld [smem:$0x3FB0];
	_ =	sdelay $0x3  }
0x36: {  	p1 =	seq.s32 s10, $0x1;
	s10 =	sld [smem:$0x3FB1];
	_ =	sdelay $0x3  }
0x37: {  	[smem:$0x3FB1] =	sst s10  }
0x38: {  	s10 =	sld [smem:$0x3FB2]  }
0x39: {  	_ = 	snop;
	(pc) =	sbr.ind lr, $3  }
0x3a: {  	_ = 	snop  }
0x3b: {  	_ = 	snop  }
0x3c: {  	p2 =	seq.s32 s10, $0x1;
	s10 =	sld [smem:$0x3FB1]  }
0x3d: {  	_ =	shalt  }
0x3e: {  	_ =	shalt  }
0x3f: {  	_ =	shalt  }
0x40: {  	_ =	shalt  }
0x41: {  	_ =	shalt  }
0x42: {  	_ =	shalt  }
0x43: {  	_ =	shalt  }
0x44: {  	_ =	shalt  }
0x45: {  	_ =	shalt  }
0x46: {  	_ =	shalt  }
0x47: {  	_ =	shalt  }
0x48: {  	_ =	shalt  }
0x49: {  	_ =	shalt  }
0x4a: {  	_ =	shalt  }
0x4b: {  	_ =	shalt  }
0x4c: {  	_ =	shalt  }
0x4d: {  	_ =	shalt  }
0x4e: {  	_ =	shalt  }
0x4f: {  	_ =	shalt  }
0x50: {  	_ =	shalt  }
0x51: {  	_ =	shalt  }
0x52: {  	_ =	shalt  }
0x53: {  	_ =	shalt  }
0x54: {  	_ =	shalt  }
0x55: {  	_ =	shalt  }
0x56: {  	_ =	shalt  }
0x57: {  	_ =	shalt  }
0x58: {  	_ =	shalt  }
0x59: {  	_ =	shalt  }
0x5a: {  	_ =	shalt  }
0x5b: {  	_ =	shalt  }
0x5c: {  	_ =	shalt  }
0x5d: {  	_ =	shalt  }
0x5e: {  	_ =	shalt  }
0x5f: {  	_ =	shalt  }
0x60: {  	_ =	shalt  }
0x61: {  	_ =	shalt  }
0x62: {  	_ =	shalt  }
0x63: {  	_ =	shalt  }
0x64: {  	_ =	shalt  }
0x65: {  	_ =	shalt  }
0x66: {  	_ =	shalt  }
0x67: {  	_ =	shalt  }
0x68: {  	_ =	shalt  }
0x69: {  	_ =	shalt  }
0x6a: {  	_ =	shalt  }
0x6b: {  	_ =	shalt  }
0x6c: {  	_ =	shalt  }
0x6d: {  	_ =	shalt  }
0x6e: {  	_ =	shalt  }
0x6f: {  	_ =	shalt  }
0x70: {  	_ =	shalt  }
0x71: {  	_ =	shalt  }
0x72: {  	_ =	shalt  }
0x73: {  	_ =	shalt  }
0x74: {  	_ =	shalt  }
0x75: {  	_ =	shalt  }
0x76: {  	_ =	shalt  }
0x77: {  	_ =	shalt  }
0x78: {  	_ =	shalt  }
0x79: {  	_ =	shalt  }
0x7a: {  	_ =	shalt  }
0x7b: {  	_ =	shalt  }
0x7c: {  	_ =	shalt  }
0x7d: {  	_ =	shalt  }
0x7e: {  	_ =	shalt  }
0x7f: {  	_ =	shalt  }
0x80: {  	_ =	shalt  }
0x81: {  	_ =	shalt  }
0x82: {  	_ =	shalt  }
0x83: {  	_ =	shalt  }
0x84: {  	_ =	shalt  }
0x85: {  	_ =	shalt  }
0x86: {  	_ =	shalt  }
0x87: {  	_ =	shalt  }
.Lfunc_end0:
.L_simem_size_0:
called_computation_lowered:
.L_overlay_start_0:
0x88: {  	s2 =	sld [smem:$0x3FD9]  }
0x89: {  	s3 =	sld [smem:$0x3FFE];
	_ =	sdelay $0x1  }
0x8a: {  	s1 =	srdreg.scid  }
0x8b: {  	s0 =	sand.u32 $0x1, s1  }
0x8c: {  	s14 =	sshll.u32 s0, $0xA;
	s2 =	sadd.s32 s3, s2  }
0x8d: {  	s2 =	sadd.s32 s2, s14  }
0x8e: {  	[smem:$0x3FBD] =	sst s2  }
0x8f: {  	_ = 	snop  }
0x90: {  	s2 =	sld [smem:$0x3FD0];
	_ =	sdelay $0x2  }
0x91: {  	s15 =	simm.s32 $0xA;
	s4 =	simm.s32 $0x10  }
0x92: {  	[smem:s4], [sflag:s15] =	dma.local [hbm:s2], $0x1  }
0x93: {  	_ =	swait.eq [sflag:s15], $0x1  }
0x94: {  	[sflag:s15] =	ssyncset.done $0x0  }
0x95: {  	[sflag:s15] =	ssyncadd.s32 $0xFFFFFFFF  }
0x96: {  	s16 =	sld [smem:$0x10];
	(tm) =	ssettm $0x1  }
0x97: {  	s17 =	sld [smem:$0x3FFB];
	_ =	sdelay $0x3  }
0x98: {  	_ =	strace s17  }
0x99: {  	s3 =	sld [smem:$0x3FFC];
	_ =	sdelay $0x3  }
0x9a: {  	_ =	strace s3  }
0x9b: {  	s3 =	sld [smem:$0x3FFD];
	_ =	sdelay $0x3  }
0x9c: {  	_ =	strace s3  }
0x9d: {  	_ =	strace $0x8FFFFFFF  }
0x9e: {  	s18 =	sld [smem:$0x3FDB];
	_ =	sdelay $0x1  }
0x9f: {  	s19 =	simm.s32 $_scs_section_size  }
0xa0: {  	s5 =	simm.s32 $_size__tile_overlayer_lowered;
	s6 =	simm.s32 $_tile_overlayer_lowered  }
0xa1: {  	s22 =	simm.s32 $0x1BFF;
	s21 =	sshll.u32 s6, $0x1;
	s3 =	sadd.s32 s19, s18  }
0xa2: {  	s7 =	simm.s32 $0x0;
	s20 =	sshll.u32 s5, $0x1;
	s5 =	sadd.s32 s21, s3  }
0xa3: {  	[timem:s7], [sflag:s22] =	dma.local [hbm:s5], s20  }
0xa4: {  	_ =	swait.ge [sflag:s22], s20  }
0xa5: {  	s4 =	ssub.s32 $0x0, s20;
	[sflag:s22] =	ssyncset.done $0x0  }
0xa6: {  	[sflag:s22] =	ssyncadd.s32 s4;
	_ =	sdelay $0x1  }
0xa7: {  	s23 =	simm.s32 $0x1B8B  }
0xa8: {  	_ =	swait.ge [sflag:s23], $0x1  }
0xa9: {  	[sflag:s23] =	ssyncset.done $0x0  }
0xaa: {  	s25 =	simm.s32 $0x1B8E;
	s24 =	sld [smem:$0x3FFE];
	[sflag:s23] =	ssyncadd.s32 $0xFFFFFFFF  }
0xab: {  	s26 =	simm.s32 $execute0_lowered;
	[smem:$0x3FD2] =	sst s25  }
0xac: {  	s5 =	sshll.u32 s26, $0x1;
	_ =	strace $0x80000046;
	[dreg:$0x1] =	wrdreg $0xFFFFFFFF  }
0xad: {  	s28 =	simm.s32 $_size_execute0_lowered;
	s3 =	sadd.s32 s3, s5;
	[dreg:$0x0] =	wrdreg $0x0  }
0xae: {  	s5 =	sshll.u32 s28, $0x1;
	[dreg:$0x2] =	wrdreg s3  }
0xaf: {  	[dreg:$0x3] =	wrdreg s5  }
0xb0: {  	[dreg:$0x4] =	wrdreg $0xC0  }
0xb1: {  	_ =	task [dreg:s7], $0x5FFFF  }
0xb2: {  	[dreg:$0x1] =	wrdreg $0xFFFFFFFF  }
0xb3: {  	[dreg:$0x0] =	wrdreg $0x60  }
0xb4: {  	[dreg:$0x2] =	wrdreg s24  }
0xb5: {  	[dreg:$0x3] =	wrdreg s16  }
0xb6: {  	[dreg:$0x4] =	wrdreg $0x9  }
0xb7: {  	_ =	task.clear_ibuf [dreg:s7], $0x5FFFF;
	_ =	strace $0x90000046  }
0xb8: {  	s29 =	simm.s32 $0x9;
	_ =	strace $0x80000048  }
0xb9: {  	_ =	swait.ge [sflag:s29], $0x1  }
0xba: {  	[sflag:s29] =	ssyncadd.s32 $0xFFFFFFFF  }
0xbb: {  	_ =	strace $0x90000048  }
0xbc: {  	_ =	sfence  }
0xbd: {  	s30 =	sld [smem:$0x0];
	_ =	sdelay $0x2  }
0xbe: {  	s31 =	sshll.u32 s1, $0xD;
	s1 =	sshrl.u32 s1, $0x2  }
0xbf: {  	s3 =	sand.u32 $0x4000, s31;
	s1 =	sadd.s32 s1, s30  }
0xc0: {  	s0 =	sor.u32 s3, s0;
	s1 =	sshll.u32 s1, $0x11  }
0xc1: {  	s0 =	sor.u32 s1, s0  }
0xc2: {  	s0 =	sadd.s32 $0x8F2B, s0  }
0xc3: {  	[sflag:s0] =	ssyncadd.remote.s32 $0x1  }
0xc4: {  	_ =	sfence.sel $0xFFFF  }
0xc5: {  	[dreg:$0x0] =	wrdreg $0xFFFFFFFF;
	(pc) =	sbr.abs _section_cstart, $3  }
0xc6: {  	[dreg:$0x1] =	wrdreg $0xFFFFFFFF  }
0xc7: {  	_ =	task.clear_ibuf [dreg:s7], $0x2FFFF;
	_ =	strace $0x9FFFFFFF  }
0xc8: {  	(tm) =	ssettm $0x7FFFFFFF  }
0xc9: {  	_ =	shalt  }
tec
execute0_lowered:
.L_overlay_start_1:
0x0: {  	(tag) =	ssettag $0x1  }
0x1: {  	s8 =	rddreg [dreg:$0x0]  }
0x2: {  	s2 =	rddreg [dreg:$0x1]  }
0x3: {  	s1 =	stileid.u32;
	s3 =	srdreg.scid  }
0x4: {  	s0 =	rddreg [dreg:$0x2];
	_ =	strace $0x80000047;
	s5 =	simm.s32 $0x1  }
0x5: {  	s9 =	simm.s32 $0x1;
	s3 =	sand.u32 $0x1, s3;
	s4 =	sshll.u32 s1, $0x1  }
0x6: {  	s10 =	simm.s32 $0x3;
	s13 =	simm.s32 $0x0;
	s6 =	sor.u32 s4, s3  }
0x7: {  	s12 =	simm.s32 $0x0;
	[sflag:s5] =	ssyncpa.u1 $0x0;
	s4 =	smul.u32 $0x50, s6  }
0x8: {  	s3 =	sadd.s32 $0x401E00, s8;
	p0 =	slt.u32 s6, $0x9;
	s6 =	simm.s32 $0xA00  }
.Ltmp0:
0x9: {  	s6 =	simm.s32 @!p0 $0x0;
	s7 =	ssub.s32 $0xC80, s4;
	(pc) =	sbr.rel .LBB2_1-.Ltmp0, $4  }
0xa: {  	s9 =	simm.s32 @!p0 $0x0;
	p0 =	sne.s32 s7, s6;
	s7 =	simm.s32 $0x1  }
0xb: {  	s8 =	sadd.s32 $0x1A00, s8;
	s6 =	simm.s32 $0x2;
	s7 =	simm.s32 @!p0 $0x0  }
0xc: {  	s11 =	smov.u32 s4;
	[sflag:s6] =	ssyncpa.u1 $0x0;
	s7 =	sadd.s32 s9, s7  }
0xd: {  	vm0 =	vmmov $0xffff;
	[sflag:s10] =	ssyncpa.u1 $0x0;
	s10 =	simm.s32 $0x0;
	s9 =	sadd.s32 $0x1, s7  }
.LBB2_4:
0xe: {  	vm1 =	veq.s32 v4, $0x80000000;
	v56 =	vand.u32 $0x3, v4;
	v6 =	vand.u32 $0x3FF, v6  }
0xf: {  	v2 =	vor.u32 v2, v5;
	v59 =	vshrl.u32 v1, $0x2;
	v60 =	vand.u32 $0x3, v1  }
0x10: {  	v4 =	vsel vm1, $0xFFFFFFFF, v56;
	v6 =	vsel vm1, $0xFFFFFFFF, v6;
	v2 =	vor.u32 v3, v2  }
0x11: {  	vm1 =	veq.s32 v1, $0x80000000;
	v5 =	vand.u32 $0x3FF, v59;
	v7 =	vshrl.u32 v4, $0x2  }
0x12: {  	v57 =	vshll.u32 v6, $0x2;
	v4 =	vshll.u32 v4, $0x7;
	v1 =	vsel vm1, $0xFFFFFFFF, v60  }
0x13: {  	v5 =	vsel vm1, $0xFFFFFFFF, v5;
	v6 =	vand.u32 $0x7F, v6;
	v7 =	vmul.u32 $0xE00, v7  }
0x14: {  	v58 =	vand.u32 $0xFFFFFE00, v57;
	v4 =	vand.u32 $0x180, v4;
	v61 =	vshrl.u32 v1, $0x2  }
0x15: {  	v62 =	vshll.u32 v5, $0x2;
	v3 =	vadd.s32 v7, v58;
	v7 =	vmul.u32 $0xE00, v61  }
0x16: {  	v1 =	vshll.u32 v1, $0x7;
	v3 =	vor.u32 v4, v3;
	v4 =	vand.u32 $0xFFFFFE00, v62  }
0x17: {  	v1 =	vand.u32 $0x180, v1;
	v3 =	vor.u32 v6, v3;
	v4 =	vadd.s32 v7, v4  }
0x18: {  	[tilespmem:s16], [sflag:$0x1] =	stream.indirect_vreg.gather [hbm4b:s3+s10], $0x1, v0, vm0, $0x4038;
	v63 =	vand.u32 $0x7F, v5;
	v1 =	vor.u32 v1, v4;
	[tilespmem:$0x140] =	vst v63  }
0x19: {  	s15 =	sadd.s32 $0x10, s15;
	(ifvalue) =	ssetifvalue $0x7FFFFFFF;
	v0 =	vor.u32 v63, v1  }
0x1a: {  	[tilespmem:s15], [sflag:$0x1] =	stream.indirect_vreg.gather [hbm4b:s3+s10], $0x1, v2, vm0, $0x4038;
	[tilespmem:$0x140] =	vst v63  }
0x1b: {  	s15 =	sadd.s32 $0x10, s15;
	(ifvalue) =	ssetifvalue $0x7FFFFFFF  }
0x1c: {  	[tilespmem:s15], [sflag:$0x1] =	stream.indirect_vreg.gather [hbm4b:s3+s10], $0x1, v3, vm0, $0x4038;
	[tilespmem:$0x140] =	vst v63  }
0x1d: {  	s15 =	sadd.s32 $0x10, s15;
	(ifvalue) =	ssetifvalue $0x7FFFFFFF  }
0x1e: {  	[tilespmem:s15], [sflag:$0x1] =	stream.indirect_vreg.gather [hbm4b:s3+s10], $0x1, v0, vm0, $0x4038;
	[tilespmem:$0x140] =	vst v63  }
0x1f: {  	_ =	swait.ge [sflag:s5], $0x50  }
0x20: {  	s30 =	sshrl.u32 s13, $0x3;
	[sflag:s5] =	ssyncset.done $0x0  }
0x21: {  	s31 =	sand.u32 $0x7, s13;
	s15 =	sadd.s32 s8, s30;
	[sflag:s5] =	ssyncadd.s32 $0xFFFFFFB0  }
0x22: {  	[hbm4b:s15+s31] =	stream.linear.scatter [tilespmem:s14], [sflag:$0x3], $0x50, $0x38;
	[tilespmem:$0x140] =	vst v63  }
.LBB2_5:
0x23: {  	s15 =	sadd.s32 $0xA00, s11  }
0x24: {  	p1 =	sgt.s32 s15, $0xC7F  }
0x25: {  	s15 =	smov.u32 @p1 s4;
	p1 =	sne.s32 s12, s9  }
.Ltmp1:
0x26: {  	p0 =	slt.u32 s12, $0x2;
	(pc) =	sbr.rel @!p1 .LBB2_6-.Ltmp1, $4  }
0x27: {  	s14 =	simm.s32 @!p0 $0x3  }
0x28: {  	_ =	swait.ge @!p0 [sflag:s14], $0x50  }
0x29: {  	s16 =	sadd.s32 $0x1, s12;
	s13 =	smov.u32 s11;
	[sflag:s14] =	ssyncset.done @!p0 $0x0  }
0x2a: {  	s12 =	smov.u32 s16;
	s11 =	smov.u32 s15;
	[sflag:s14] =	ssyncadd.s32 @!p0 $0xFFFFFFB0  }
.LBB2_1:
0x2b: {  	p0 =	sge.u32 s12, s7  }
0x2c: {  	s14 =	sxor.u32 @!p0 $0x1, s12  }
0x2d: {  	s14 =	smul.u32 @!p0 $0x140, s14  }
0x2e: {  	s31 =	sadd.s32 $0xFFFFFFFF, s12;
	s15 =	sshrl.u32 @!p0 s11, $0x3  }
0x2f: {  	s16 =	sand.u32 @!p0 $0x7, s11;
	s15 =	sadd.s32 @!p0 s2, s15;
	s14 =	sshra.s32 @!p0 s14, $0x2  }
0x30: {  	[tilespmem:s14], [sflag:$0x2] =	stream.linear.gather @!p0 [hbm4b:s15+s16], $0x50, $0x38;
	[tilespmem:$0x140] =	vst v63  }
0x31: {  	p0 =	sge.u32 s31, s7  }
.Ltmp2:
0x32: {  	_ = 	snop;
	(pc) =	sbr.rel @p0 .LBB2_5-.Ltmp2, $1  }
0x33: {  	_ =	sdelay $0x3  }
0x34: {  	s14 =	sand.u32 $0x1, s12  }
0x35: {  	_ =	swait.ge [sflag:s6], $0x50;
	p0 =	seq.s32 s14, $0x1;
	s14 =	simm.s32 $0x50  }
0x36: {  	[sflag:s6] =	ssyncset.done $0x0;
	s14 =	simm.s32 @!p0 $0x0  }
0x37: {  	[sflag:s6] =	ssyncadd.s32 $0xFFFFFFB0;
	(ifvalue) =	ssetifvalue $0x7FFFFFFF;
	v0 =	vld.msk [tilespmem:s14+$0x0 ss:$0x1], $0xffff  }
0x38: {  	s15 =	sadd.s32 $0x10, s14  }
0x39: {  	v1 =	vld.msk [tilespmem:s15+$0x0 ss:$0x1], $0xffff;
	_ =	sdelay $0x2  }
0x3a: {  	v2 =	vshrl.u32 v0, $0x2  }
0x3b: {  	vm1 =	veq.s32 v0, $0x80000000;
	v0 =	vand.u32 $0x3, v0;
	v2 =	vand.u32 $0x3FF, v2  }
0x3c: {  	v0 =	vsel vm1, $0xFFFFFFFF, v0;
	v6 =	vshrl.u32 v1, $0x2;
	v2 =	vsel vm1, $0xFFFFFFFF, v2  }
0x3d: {  	v3 =	vshrl.u32 v0, $0x2;
	v0 =	vshll.u32 v0, $0x7;
	vm1 =	veq.s32 v1, $0x80000000  }
0x3e: {  	s15 =	sadd.s32 $0x10, s15;
	v1 =	vand.u32 $0x3, v1;
	v4 =	vshll.u32 v2, $0x2;
	v3 =	vmul.u32 $0xE00, v3  }
0x3f: {  	v0 =	vand.u32 $0x180, v0;
	v7 =	vand.u32 $0x7F, v2;
	v5 =	vand.u32 $0xFFFFFE00, v4;
	v4 =	vld.msk [tilespmem:s15+$0x0 ss:$0x1], $0xffff  }
0x40: {  	v1 =	vsel vm1, $0xFFFFFFFF, v1;
	v2 =	vadd.s32 v3, v5;
	v3 =	vand.u32 $0x3FF, v6  }
0x41: {  	v3 =	vsel vm1, $0xFFFFFFFF, v3;
	v0 =	vor.u32 v0, v2;
	v2 =	vshrl.u32 v1, $0x2  }
0x42: {  	v1 =	vshll.u32 v1, $0x7;
	v5 =	vshll.u32 v3, $0x2;
	v8 =	vmul.u32 $0xE00, v2  }
0x43: {  	s18 =	simm.s32 $0x30;
	s14 =	sor.u32 $0xA0, s14;
	s17 =	sadd.s32 $0x10, s15;
	v2 =	vand.u32 $0x180, v1;
	v0 =	vor.u32 v7, v0;
	v5 =	vand.u32 $0xFFFFFE00, v5  }
0x44: {  	s16 =	smov.u32 s14;
	s15 =	smov.u32 s14;
	v1 =	vld.msk [tilespmem:s17+$0x0 ss:$0x1], $0xffff;
	v3 =	vand.u32 $0x7F, v3;
	(ifvalue) =	ssetifvalue $0x7FFFFFFF;
	v6 =	vshrl.u32 v4, $0x2;
	v5 =	vadd.s32 v8, v5  }
.LBB2_3:
0x45: {  	s18 =	sadd.s32 $0x10, s18  }
0x46: {  	vm1 =	veq.s32 v4, $0x80000000;
	v4 =	vand.u32 $0x3, v4;
	v6 =	vand.u32 $0x3FF, v6;
	s15 =	sadd.s32 $0x10, s15;
	p0 =	slt.u32 s18, $0x40  }
.Ltmp3:
0x47: {  	v5 =	vor.u32 v2, v5;
	v4 =	vsel vm1, $0xFFFFFFFF, v4;
	v7 =	vsel vm1, $0xFFFFFFFF, v6;
	(pc) =	sbr.rel @p0 .LBB2_3-.Ltmp3, $4  }
0x48: {  	v2 =	vshrl.u32 v4, $0x2;
	v6 =	vshll.u32 v7, $0x2;
	v4 =	vshll.u32 v4, $0x7;
	[tilespmem:s16], [sflag:$0x1] =	stream.indirect_vreg.gather [hbm4b:s3+s10], $0x1, v0, vm0, $0x4038;
	[tilespmem:$0x140] =	vst v63  }
0x49: {  	v0 =	vor.u32 v3, v5;
	s16 =	smov.u32 s15;
	v8 =	vmul.u32 $0xE00, v2;
	v2 =	vand.u32 $0x180, v4  }
0x4a: {  	s17 =	sadd.s32 $0x10, s17;
	v9 =	vand.u32 $0xFFFFFE00, v6  }
0x4b: {  	v3 =	vand.u32 $0x7F, v7;
	v6 =	vshrl.u32 v1, $0x2;
	v5 =	vadd.s32 v8, v9;
	(ifvalue) =	ssetifvalue $0x7FFFFFFF;
	v4 =	vmovc v1;
	v1 =	vld.msk [tilespmem:s17+$0x0 ss:$0x1], $0xffff  }
.Ltmp4:
0x4c: {  	_ = 	snop;
	(pc) =	sbr.rel .LBB2_4-.Ltmp4, $1  }
0x4d: {  	_ =	sdelay $0x3  }
.LBB2_6:
0x4e: {  	_ =	sfence.sel $0x180000  }
0x4f: {  	s2 =	simm.s32 $0x2;
	[bflag:$0x0] =	sbarrier.arrive $0xFFFF  }
0x50: {  	s30 =	simm.s32 $0x3;
	[sflag:s2] =	ssyncpa.u1 $0x1  }
0x51: {  	s31 =	simm.s32 $0x1;
	[sflag:s30] =	ssyncpa.u1 $0x1  }
0x52: {  	[sflag:s31] =	ssyncpa.u1 $0x1  }
0x53: {  	p0 =	sne.s32 s1, $0x0;
	_ =	strace $0x90000047  }
0x54: {  	s0 =	sadd.s32 @!p0 $0x100000, s0;
	[bflag:$0x2] =	sbarrier.arrive $0xFFFF  }
0x55: {  	[sflag:s0] =	ssyncadd.tile.s32 @!p0 $0x1;
	_ =	shalt  }
.Lfunc_end2:
_tile_overlayer_lowered:
.L_overlay_start_2:
0x56: {  	(tag) =	ssettag $0x2  }
0x57: {  	s0 =	rddreg [dreg:$0x0];
	s2 =	stileid.u32  }
0x58: {  	s1 =	rddreg [dreg:$0x1];
	p0 =	sne.s32 s2, $0x0  }
0x59: {  	s3 =	rddreg [dreg:$0x2];
	[bflag:$0x3] =	sbarrier.arrive $0xFFFF;
	s2 =	simm.s32 @!p0 $0x1C01  }
0x5a: {  	[timem:s3], [sflag:s2] =	dma.local @!p0 [hbm:s0], s1  }
0x5b: {  	s0 =	simm.s32 @!p0 $0x1  }
0x5c: {  	_ =	swait.ge @!p0 [sflag:s0], s1  }
0x5d: {  	s1 =	ssub.s32 @!p0 $0x0, s1;
	[sflag:s0] =	ssyncset.done @!p0 $0x0  }
0x5e: {  	[sflag:s0] =	ssyncadd.s32 @!p0 s1  }
0x5f: {  	[bflag:$0x3] =	sbarrier.arrive $0xFFFF  }
0x60: {  	_ =	shalt  }

</sc_bundles>
